<compile_context>
chip_gen: v7x
topology: tpu7x:2x2x1
jax: 0.10.2.dev20260603
libtpu: 0.0.44.dev20260713+nightly
codegen_flags: <defaults>
</compile_context>

<pallas_src>
import functools

import jax
import jax.numpy as jnp
from jax import lax
from jax.experimental import pallas as pl
from jax.experimental.pallas import tpu as pltpu
from jax.experimental.pallas import tpu_sc as plsc

NUM_EMBEDDINGS = 1000000
EMBEDDING_DIM = 64
BATCH = 4096
SEQ = 200

_info = plsc.get_sparse_core_info()
NC, NS = _info.num_cores, _info.num_subcores
NW = NC * NS

LANES = 128
BLK = BATCH // NW
TPOS = SEQ * 8 * NW
OUT_ROWS = TPOS * 8
IDXW = 133
TILW = 133

_mesh = plsc.VectorSubcoreMesh(core_axis_name="c", subcore_axis_name="s")


def _make_gather():
    @functools.partial(
        pl.kernel,
        mesh=_mesh,
        compiler_params=pltpu.CompilerParams(
            use_tc_tiling_on_sc=False, needs_layout_passes=False
        ),
        out_type=jax.ShapeDtypeStruct((OUT_ROWS, LANES), jnp.float32),
        scratch_types=[
            pltpu.VMEM((BLK, SEQ), jnp.int32),
            pltpu.VMEM((SEQ, IDXW), jnp.int32),
            pltpu.VMEM((2, BLK, EMBEDDING_DIM), jnp.float32),
            pltpu.VMEM((2, EMBEDDING_DIM, TILW), jnp.float32),
        ]
        + [pltpu.SemaphoreType.DMA] * 4,
    )
    def gather_kernel(idx_hbm, wpad_hbm, out_hbm, idx_v, idx_t, rows_v, tile_v, *sems):
        g_sem = sems[:2]
        w_sem = sems[2:4]
        wid = lax.axis_index("s") * NC + lax.axis_index("c")
        wb = wid
        iota = lax.iota(jnp.int32, 16)

        pltpu.sync_copy(idx_hbm.at[pl.ds(wb * BLK, BLK)], idx_v)
        s_starts = [16 * t for t in range(SEQ // 16)] + [SEQ - 16]
        s_idx = {s0: s0 + iota for s0 in s_starts}
        c_idx = [c0 + iota for c0 in range(0, EMBEDDING_DIM, 16)]

        def idtr(j, _):
            cols = jnp.full((16,), j, jnp.int32)
            for s0 in s_starts:
                v = idx_v[j, pl.ds(s0, 16)]
                plsc.store_scatter(idx_t, [s_idx[s0], cols], v)
            return _

        lax.fori_loop(0, BLK, idtr, 0, unroll=False)

        def g_copy(s, b):
            return pltpu.make_async_copy(
                wpad_hbm.at[idx_t.at[s, pl.ds(0, BLK)]], rows_v.at[b], g_sem[b]
            )

        def w_copy(s, b, cb):
            base = ((s * 8 + cb) * NW + wb) * 8
            return pltpu.make_async_copy(
                tile_v.at[b, pl.ds(8 * cb, 8), pl.ds(0, LANES)],
                out_hbm.at[pl.ds(base, 8)],
                w_sem[b],
            )

        g_copy(0, 0).start()

        def step(s, b):
            g_copy(s, b).wait()

            @pl.when(s + 1 < SEQ)
            def _prefetch():
                g_copy(s + 1, 1 - b).start()

            @pl.when(s >= 2)
            def _drain():
                for cb in range(8):
                    w_copy(s - 2, b, cb).wait()

            def tr(jj, _):
                for j2 in range(2):
                    j = jj * 2 + j2
                    cols = jnp.full((16,), j, jnp.int32)
                    for ci, c0 in enumerate(range(0, EMBEDDING_DIM, 16)):
                        v = rows_v[b, j, pl.ds(c0, 16)]
                        plsc.store_scatter(tile_v.at[b], [c_idx[ci], cols], v)
                return _

            lax.fori_loop(0, BLK // 2, tr, 0, unroll=False)
            for cb in range(8):
                w_copy(s, b, cb).start()

        def body(s2, _):
            for par in range(2):
                step(s2 * 2 + par, par)
            return _

        lax.fori_loop(0, SEQ // 2, body, 0, unroll=False)

        for b in range(2):
            for cb in range(8):
                w_copy(SEQ - 2 + b, b, cb).wait()

    return gather_kernel


_gather = _make_gather()


@jax.jit
def kernel(input_ids, weight):
    out5 = _gather(input_ids, weight)
    return (
        out5.reshape(SEQ, 8, NW, 8, LANES)
        .transpose(2, 4, 0, 1, 3)
        .reshape(BATCH, SEQ, EMBEDDING_DIM)
    )

# --- scband reference (transcript-rebuilt; emitter-appended) ---
"""Pipeline reference for scband-vision-aware-embedding-21217138442801 (READ-ONLY COPY).

The authoritative reference and input builder live on the scoring server;
editing this copy changes nothing except your own understanding.
"""

import jax, jax.numpy as jnp
import numpy as np

NUM_EMBEDDINGS = 1000000
EMBEDDING_DIM = 64
BATCH = 4096
SEQ = 200

def setup_inputs(seed: int = 0) -> dict:
    key = jax.random.key(seed)
    k_ids, k_w = jax.random.split(key)
    input_ids = jax.random.randint(k_ids, (BATCH, SEQ), 0, NUM_EMBEDDINGS, dtype=jnp.int64) if jax.config.jax_enable_x64 else jax.random.randint(k_ids, (BATCH, SEQ), 0, NUM_EMBEDDINGS, dtype=jnp.int32)
    weight = jax.random.normal(k_w, (NUM_EMBEDDINGS, EMBEDDING_DIM), dtype=jnp.float32)
    return {"input_ids": input_ids, "weight": weight}

def reference(input_ids, weight):
    # VisionAwareEmbedding.forward with self._vision_features is None (the
    # default / cached-generation path): base = self.original(input_ids); return base.
    base = jnp.take(weight, input_ids, axis=0)
    return base

if __name__ == "__main__":
    import jax
    _d = setup_inputs()
    print(jax.jit(kernel)(*tuple(_d.values())))

</pallas_src>

<mosaic_0001>
#map = affine_map<(d0, d1) -> (0, 0)>
module attributes {stable_mosaic.version = 14 : i64} {
  func.func @gather_kernel(%arg0: i32, %arg1: i32, %arg2: memref<4096x200xi32, #tpu.memory_space<hbm>>, %arg3: memref<1000000x64xf32, #tpu.memory_space<hbm>>, %arg4: memref<409600x128xf32, #tpu.memory_space<hbm>>, %arg5: memref<128x200xi32, #tpu.memory_space<vmem>>, %arg6: memref<200x133xi32, #tpu.memory_space<vmem>>, %arg7: memref<2x128x64xf32, #tpu.memory_space<vmem>>, %arg8: memref<2x64x133xf32, #tpu.memory_space<vmem>>, %arg9: memref<!tpu.dma_semaphore, #tpu.memory_space<semaphore_mem>>, %arg10: memref<!tpu.dma_semaphore, #tpu.memory_space<semaphore_mem>>, %arg11: memref<!tpu.dma_semaphore, #tpu.memory_space<semaphore_mem>>, %arg12: memref<!tpu.dma_semaphore, #tpu.memory_space<semaphore_mem>>) attributes {dimension_semantics = [#tpu.dimension_semantics<core_parallel>, #tpu.dimension_semantics<subcore_parallel>], iteration_bounds = array<i64: 2, 16>, scalar_prefetch = 0 : i64, scratch_operands = 8 : i64, tpu.core_type = #tpu.core_type<sc_vector_subcore>, window_params = [{transform_indices = #map}, {transform_indices = #map}, {transform_indices = #map}]} {
    %mul3A = arith.constant 2 : i32
    %mul3A_0 = arith.muli %arg1, %mul3A : i32
    %add3A = arith.addi %mul3A_0, %arg0 : i32
    %iota3A = tpu.iota {dimensions = array<i32: 0>} : vector<16xi32>
    %mul3A_1 = arith.constant 128 : i32
    %mul3A_2 = arith.muli %add3A, %mul3A_1 : i32
    "tpu.region"() ({
      %run_scoped3A = tpu.sem_alloc : memref<!tpu.dma_semaphore, #tpu.memory_space<semaphore_mem>>
      %dma_start3A_347 = arith.constant 0 : i32
      %dma_start3A_348 = tpu.memref_slice %arg2[%mul3A_2, %dma_start3A_347] : memref<4096x200xi32, #tpu.memory_space<hbm>> -> memref<128x200xi32, #tpu.memory_space<hbm>>
      %dma_start3A_349 = arith.constant 0 : i32
      %dma_start3A_350 = tpu.memref_slice %arg2[%mul3A_2, %dma_start3A_349] : memref<4096x200xi32, #tpu.memory_space<hbm>> -> memref<128x200xi32, #tpu.memory_space<hbm>>
      tpu.enqueue_dma source(%dma_start3A_350 : memref<128x200xi32, #tpu.memory_space<hbm>>) target(%arg5 : memref<128x200xi32, #tpu.memory_space<vmem>>) target_semaphore(%run_scoped3A : memref<!tpu.dma_semaphore, #tpu.memory_space<semaphore_mem>>)
      %dma_wait3A_351 = arith.constant 0 : i32
      %dma_wait3A_352 = tpu.memref_slice %arg2[%mul3A_2, %dma_wait3A_351] : memref<4096x200xi32, #tpu.memory_space<hbm>> -> memref<128x200xi32, #tpu.memory_space<hbm>>
      %dma_wait3A_353 = arith.constant 0 : i32
      %dma_wait3A_354 = tpu.memref_slice %arg2[%mul3A_2, %dma_wait3A_353] : memref<4096x200xi32, #tpu.memory_space<hbm>> -> memref<128x200xi32, #tpu.memory_space<hbm>>
      tpu.wait_dma2 semaphore(%run_scoped3A : memref<!tpu.dma_semaphore, #tpu.memory_space<semaphore_mem>>) src(%dma_wait3A_354 : memref<128x200xi32, #tpu.memory_space<hbm>>) dst(%arg5 : memref<128x200xi32, #tpu.memory_space<vmem>>)
      tpu.yield
    }) : () -> ()
    %add3A_3 = arith.constant 0 : i32
    %add3A_4 = vector.broadcast %add3A_3 : i32 to vector<16xi32>
    %add3A_5 = arith.addi %add3A_4, %iota3A : vector<16xi32>
    %add3A_6 = arith.constant 16 : i32
    %add3A_7 = vector.broadcast %add3A_6 : i32 to vector<16xi32>
    %add3A_8 = arith.addi %add3A_7, %iota3A : vector<16xi32>
    %add3A_9 = arith.constant 32 : i32
    %add3A_10 = vector.broadcast %add3A_9 : i32 to vector<16xi32>
    %add3A_11 = arith.addi %add3A_10, %iota3A : vector<16xi32>
    %add3A_12 = arith.constant 48 : i32
    %add3A_13 = vector.broadcast %add3A_12 : i32 to vector<16xi32>
    %add3A_14 = arith.addi %add3A_13, %iota3A : vector<16xi32>
    %add3A_15 = arith.constant 64 : i32
    %add3A_16 = vector.broadcast %add3A_15 : i32 to vector<16xi32>
    %add3A_17 = arith.addi %add3A_16, %iota3A : vector<16xi32>
    %add3A_18 = arith.constant 80 : i32
    %add3A_19 = vector.broadcast %add3A_18 : i32 to vector<16xi32>
    %add3A_20 = arith.addi %add3A_19, %iota3A : vector<16xi32>
    %add3A_21 = arith.constant 96 : i32
    %add3A_22 = vector.broadcast %add3A_21 : i32 to vector<16xi32>
    %add3A_23 = arith.addi %add3A_22, %iota3A : vector<16xi32>
    %add3A_24 = arith.constant 112 : i32
    %add3A_25 = vector.broadcast %add3A_24 : i32 to vector<16xi32>
    %add3A_26 = arith.addi %add3A_25, %iota3A : vector<16xi32>
    %add3A_27 = arith.constant 128 : i32
    %add3A_28 = vector.broadcast %add3A_27 : i32 to vector<16xi32>
    %add3A_29 = arith.addi %add3A_28, %iota3A : vector<16xi32>
    %add3A_30 = arith.constant 144 : i32
    %add3A_31 = vector.broadcast %add3A_30 : i32 to vector<16xi32>
    %add3A_32 = arith.addi %add3A_31, %iota3A : vector<16xi32>
    %add3A_33 = arith.constant 160 : i32
    %add3A_34 = vector.broadcast %add3A_33 : i32 to vector<16xi32>
    %add3A_35 = arith.addi %add3A_34, %iota3A : vector<16xi32>
    %add3A_36 = arith.constant 176 : i32
    %add3A_37 = vector.broadcast %add3A_36 : i32 to vector<16xi32>
    %add3A_38 = arith.addi %add3A_37, %iota3A : vector<16xi32>
    %add3A_39 = arith.constant 184 : i32
    %add3A_40 = vector.broadcast %add3A_39 : i32 to vector<16xi32>
    %add3A_41 = arith.addi %add3A_40, %iota3A : vector<16xi32>
    %add3A_42 = arith.constant 0 : i32
    %add3A_43 = vector.broadcast %add3A_42 : i32 to vector<16xi32>
    %add3A_44 = arith.addi %add3A_43, %iota3A : vector<16xi32>
    %add3A_45 = arith.constant 16 : i32
    %add3A_46 = vector.broadcast %add3A_45 : i32 to vector<16xi32>
    %add3A_47 = arith.addi %add3A_46, %iota3A : vector<16xi32>
    %add3A_48 = arith.constant 32 : i32
    %add3A_49 = vector.broadcast %add3A_48 : i32 to vector<16xi32>
    %add3A_50 = arith.addi %add3A_49, %iota3A : vector<16xi32>
    %add3A_51 = arith.constant 48 : i32
    %add3A_52 = vector.broadcast %add3A_51 : i32 to vector<16xi32>
    %add3A_53 = arith.addi %add3A_52, %iota3A : vector<16xi32>
    %scan3A = arith.constant 0 : i32
    %scan3A_54 = arith.constant 0 : i32
    %scan3A_55 = arith.constant 128 : i32
    %scan3A_56 = arith.addi %scan3A_54, %scan3A_55 : i32
    %scan3A_57 = arith.constant 1 : i32
    scf.for %scan3A_347 = %scan3A_54 to %scan3A_56 step %scan3A_57  : i32 {
      %broadcast_in_dim3A = vector.broadcast %scan3A_347 : i32 to vector<16xi32>
      %get3A = arith.index_cast %scan3A_347 : i32 to index
      %get3A_348 = arith.constant 0 : index
      %get3A_349 = tpu.vector_load %arg5[%get3A, %get3A_348] {strides = array<i32>} : memref<128x200xi32, #tpu.memory_space<vmem>>, vector<16xi32>,
      tpu.vector_store_idx %arg6[%add3A_5, %broadcast_in_dim3A], %get3A_349 : memref<200x133xi32, #tpu.memory_space<vmem>>[vector<16xi32>, vector<16xi32>], vector<16xi32>,
      %get3A_350 = arith.index_cast %scan3A_347 : i32 to index
      %get3A_351 = arith.constant 16 : index
      %get3A_352 = tpu.vector_load %arg5[%get3A_350, %get3A_351] {strides = array<i32>} : memref<128x200xi32, #tpu.memory_space<vmem>>, vector<16xi32>,
      tpu.vector_store_idx %arg6[%add3A_8, %broadcast_in_dim3A], %get3A_352 : memref<200x133xi32, #tpu.memory_space<vmem>>[vector<16xi32>, vector<16xi32>], vector<16xi32>,
      %get3A_353 = arith.index_cast %scan3A_347 : i32 to index
      %get3A_354 = arith.constant 32 : index
      %get3A_355 = tpu.vector_load %arg5[%get3A_353, %get3A_354] {strides = array<i32>} : memref<128x200xi32, #tpu.memory_space<vmem>>, vector<16xi32>,
      tpu.vector_store_idx %arg6[%add3A_11, %broadcast_in_dim3A], %get3A_355 : memref<200x133xi32, #tpu.memory_space<vmem>>[vector<16xi32>, vector<16xi32>], vector<16xi32>,
      %get3A_356 = arith.index_cast %scan3A_347 : i32 to index
      %get3A_357 = arith.constant 48 : index
      %get3A_358 = tpu.vector_load %arg5[%get3A_356, %get3A_357] {strides = array<i32>} : memref<128x200xi32, #tpu.memory_space<vmem>>, vector<16xi32>,
      tpu.vector_store_idx %arg6[%add3A_14, %broadcast_in_dim3A], %get3A_358 : memref<200x133xi32, #tpu.memory_space<vmem>>[vector<16xi32>, vector<16xi32>], vector<16xi32>,
      %get3A_359 = arith.index_cast %scan3A_347 : i32 to index
      %get3A_360 = arith.constant 64 : index
      %get3A_361 = tpu.vector_load %arg5[%get3A_359, %get3A_360] {strides = array<i32>} : memref<128x200xi32, #tpu.memory_space<vmem>>, vector<16xi32>,
      tpu.vector_store_idx %arg6[%add3A_17, %broadcast_in_dim3A], %get3A_361 : memref<200x133xi32, #tpu.memory_space<vmem>>[vector<16xi32>, vector<16xi32>], vector<16xi32>,
      %get3A_362 = arith.index_cast %scan3A_347 : i32 to index
      %get3A_363 = arith.constant 80 : index
      %get3A_364 = tpu.vector_load %arg5[%get3A_362, %get3A_363] {strides = array<i32>} : memref<128x200xi32, #tpu.memory_space<vmem>>, vector<16xi32>,
      tpu.vector_store_idx %arg6[%add3A_20, %broadcast_in_dim3A], %get3A_364 : memref<200x133xi32, #tpu.memory_space<vmem>>[vector<16xi32>, vector<16xi32>], vector<16xi32>,
      %get3A_365 = arith.index_cast %scan3A_347 : i32 to index
      %get3A_366 = arith.constant 96 : index
      %get3A_367 = tpu.vector_load %arg5[%get3A_365, %get3A_366] {strides = array<i32>} : memref<128x200xi32, #tpu.memory_space<vmem>>, vector<16xi32>,
      tpu.vector_store_idx %arg6[%add3A_23, %broadcast_in_dim3A], %get3A_367 : memref<200x133xi32, #tpu.memory_space<vmem>>[vector<16xi32>, vector<16xi32>], vector<16xi32>,
      %get3A_368 = arith.index_cast %scan3A_347 : i32 to index
      %get3A_369 = arith.constant 112 : index
      %get3A_370 = tpu.vector_load %arg5[%get3A_368, %get3A_369] {strides = array<i32>} : memref<128x200xi32, #tpu.memory_space<vmem>>, vector<16xi32>,
      tpu.vector_store_idx %arg6[%add3A_26, %broadcast_in_dim3A], %get3A_370 : memref<200x133xi32, #tpu.memory_space<vmem>>[vector<16xi32>, vector<16xi32>], vector<16xi32>,
      %get3A_371 = arith.index_cast %scan3A_347 : i32 to index
      %get3A_372 = arith.constant 128 : index
      %get3A_373 = tpu.vector_load %arg5[%get3A_371, %get3A_372] {strides = array<i32>} : memref<128x200xi32, #tpu.memory_space<vmem>>, vector<16xi32>,
      tpu.vector_store_idx %arg6[%add3A_29, %broadcast_in_dim3A], %get3A_373 : memref<200x133xi32, #tpu.memory_space<vmem>>[vector<16xi32>, vector<16xi32>], vector<16xi32>,
      %get3A_374 = arith.index_cast %scan3A_347 : i32 to index
      %get3A_375 = arith.constant 144 : index
      %get3A_376 = tpu.vector_load %arg5[%get3A_374, %get3A_375] {strides = array<i32>} : memref<128x200xi32, #tpu.memory_space<vmem>>, vector<16xi32>,
      tpu.vector_store_idx %arg6[%add3A_32, %broadcast_in_dim3A], %get3A_376 : memref<200x133xi32, #tpu.memory_space<vmem>>[vector<16xi32>, vector<16xi32>], vector<16xi32>,
      %get3A_377 = arith.index_cast %scan3A_347 : i32 to index
      %get3A_378 = arith.constant 160 : index
      %get3A_379 = tpu.vector_load %arg5[%get3A_377, %get3A_378] {strides = array<i32>} : memref<128x200xi32, #tpu.memory_space<vmem>>, vector<16xi32>,
      tpu.vector_store_idx %arg6[%add3A_35, %broadcast_in_dim3A], %get3A_379 : memref<200x133xi32, #tpu.memory_space<vmem>>[vector<16xi32>, vector<16xi32>], vector<16xi32>,
      %get3A_380 = arith.index_cast %scan3A_347 : i32 to index
      %get3A_381 = arith.constant 176 : index
      %get3A_382 = tpu.vector_load %arg5[%get3A_380, %get3A_381] {strides = array<i32>} : memref<128x200xi32, #tpu.memory_space<vmem>>, vector<16xi32>,
      tpu.vector_store_idx %arg6[%add3A_38, %broadcast_in_dim3A], %get3A_382 : memref<200x133xi32, #tpu.memory_space<vmem>>[vector<16xi32>, vector<16xi32>], vector<16xi32>,
      %get3A_383 = arith.index_cast %scan3A_347 : i32 to index
      %get3A_384 = arith.constant 184 : index
      %get3A_385 = tpu.vector_load %arg5[%get3A_383, %get3A_384] {strides = array<i32>} : memref<128x200xi32, #tpu.memory_space<vmem>>, vector<16xi32>,
      tpu.vector_store_idx %arg6[%add3A_41, %broadcast_in_dim3A], %get3A_385 : memref<200x133xi32, #tpu.memory_space<vmem>>[vector<16xi32>, vector<16xi32>], vector<16xi32>,
    }
    %scan3A_58 = arith.constant 128 : i32
    %dma_start3A = arith.constant 0 : i32
    %dma_start3A_59 = arith.constant 0 : i32
    %dma_start3A_60 = arith.constant 0 : i32
    %dma_start3A_61 = arith.constant 0 : i32
    %dma_start3A_62 = tpu.memref_slice %arg7[%dma_start3A_59, %dma_start3A_60, %dma_start3A_61] : memref<2x128x64xf32, #tpu.memory_space<vmem>> -> memref<1x128x64xf32, #tpu.memory_space<vmem>>
    %dma_start3A_63 = tpu.memref_squeeze %dma_start3A_62 : memref<1x128x64xf32, #tpu.memory_space<vmem>> -> memref<128x64xf32, #tpu.memory_space<vmem>>
    %dma_start3A_64 = arith.constant 0 : i32
    %dma_start3A_65 = tpu.memref_slice %arg6[%dma_start3A, %dma_start3A_64] : memref<200x133xi32, #tpu.memory_space<vmem>> -> memref<1x128xi32, #tpu.memory_space<vmem>>
    %dma_start3A_66 = tpu.memref_squeeze %dma_start3A_65 : memref<1x128xi32, #tpu.memory_space<vmem>> -> memref<128xi32, #tpu.memory_space<vmem>>
    %dma_start3A_67 = arith.constant 0 : i32
    %dma_start3A_68 = arith.constant 0 : i32
    %dma_start3A_69 = tpu.memref_slice %arg3[%dma_start3A_67, %dma_start3A_68] : memref<1000000x64xf32, #tpu.memory_space<hbm>> -> memref<1000000x64xf32, #tpu.memory_space<hbm>>
    tpu.enqueue_indirect_dma source(%dma_start3A_69 : memref<1000000x64xf32, #tpu.memory_space<hbm>>) target(%dma_start3A_63 : memref<128x64xf32, #tpu.memory_space<vmem>>) offsets(%dma_start3A_66 : memref<128xi32, #tpu.memory_space<vmem>>) semaphore(%arg9 : memref<!tpu.dma_semaphore, #tpu.memory_space<semaphore_mem>>)
    %scan3A_70 = arith.constant 0 : i32
    %scan3A_71 = arith.constant 0 : i32
    %scan3A_72 = arith.constant 100 : i32
    %scan3A_73 = arith.addi %scan3A_71, %scan3A_72 : i32
    %scan3A_74 = arith.constant 1 : i32
    scf.for %scan3A_347 = %scan3A_71 to %scan3A_73 step %scan3A_74  : i32 {
      %mul3A_348 = arith.constant 2 : i32
      %mul3A_349 = arith.muli %scan3A_347, %mul3A_348 : i32
      %add3A_350 = arith.constant 0 : i32
      %add3A_351 = arith.addi %mul3A_349, %add3A_350 : i32
      %dma_wait3A_352 = arith.constant 0 : i32
      %dma_wait3A_353 = arith.constant 0 : i32
      %dma_wait3A_354 = arith.constant 0 : i32
      %dma_wait3A_355 = tpu.memref_slice %arg7[%dma_wait3A_352, %dma_wait3A_353, %dma_wait3A_354] : memref<2x128x64xf32, #tpu.memory_space<vmem>> -> memref<1x128x64xf32, #tpu.memory_space<vmem>>
      %dma_wait3A_356 = tpu.memref_squeeze %dma_wait3A_355 : memref<1x128x64xf32, #tpu.memory_space<vmem>> -> memref<128x64xf32, #tpu.memory_space<vmem>>
      %dma_wait3A_357 = arith.constant 0 : i32
      %dma_wait3A_358 = tpu.memref_slice %arg6[%add3A_351, %dma_wait3A_357] : memref<200x133xi32, #tpu.memory_space<vmem>> -> memref<1x128xi32, #tpu.memory_space<vmem>>
      %dma_wait3A_359 = tpu.memref_squeeze %dma_wait3A_358 : memref<1x128xi32, #tpu.memory_space<vmem>> -> memref<128xi32, #tpu.memory_space<vmem>>
      %dma_wait3A_360 = arith.constant 0 : i32
      %dma_wait3A_361 = arith.constant 0 : i32
      %dma_wait3A_362 = tpu.memref_slice %arg3[%dma_wait3A_360, %dma_wait3A_361] : memref<1000000x64xf32, #tpu.memory_space<hbm>> -> memref<1000000x64xf32, #tpu.memory_space<hbm>>
      tpu.wait_indirect_dma semaphore(%arg9 : memref<!tpu.dma_semaphore, #tpu.memory_space<semaphore_mem>>) src(%dma_wait3A_362 : memref<1000000x64xf32, #tpu.memory_space<hbm>>) dst(%dma_wait3A_356 : memref<128x64xf32, #tpu.memory_space<vmem>>)
      %add3A_363 = arith.constant 1 : i32
      %add3A_364 = arith.addi %add3A_351, %add3A_363 : i32
      %lt3A = arith.constant 200 : i32
      %lt3A_365 = arith.cmpi slt, %add3A_364, %lt3A : i32
      %convert_element_type3A = arith.extui %lt3A_365 : i1 to i32
      %cond3A = arith.constant 0 : i32
      %cond3A_366 = arith.cmpi ne, %convert_element_type3A, %cond3A : i32
      scf.if %cond3A_366 {
        %add3A_762 = arith.constant 1 : i32
        %add3A_763 = arith.addi %add3A_351, %add3A_762 : i32
        %dma_start3A_764 = arith.constant 1 : i32
        %dma_start3A_765 = arith.constant 0 : i32
        %dma_start3A_766 = arith.constant 0 : i32
        %dma_start3A_767 = tpu.memref_slice %arg7[%dma_start3A_764, %dma_start3A_765, %dma_start3A_766] : memref<2x128x64xf32, #tpu.memory_space<vmem>> -> memref<1x128x64xf32, #tpu.memory_space<vmem>>
        %dma_start3A_768 = tpu.memref_squeeze %dma_start3A_767 : memref<1x128x64xf32, #tpu.memory_space<vmem>> -> memref<128x64xf32, #tpu.memory_space<vmem>>
        %dma_start3A_769 = arith.constant 0 : i32
        %dma_start3A_770 = tpu.memref_slice %arg6[%add3A_763, %dma_start3A_769] : memref<200x133xi32, #tpu.memory_space<vmem>> -> memref<1x128xi32, #tpu.memory_space<vmem>>
        %dma_start3A_771 = tpu.memref_squeeze %dma_start3A_770 : memref<1x128xi32, #tpu.memory_space<vmem>> -> memref<128xi32, #tpu.memory_space<vmem>>
        %dma_start3A_772 = arith.constant 0 : i32
        %dma_start3A_773 = arith.constant 0 : i32
        %dma_start3A_774 = tpu.memref_slice %arg3[%dma_start3A_772, %dma_start3A_773] : memref<1000000x64xf32, #tpu.memory_space<hbm>> -> memref<1000000x64xf32, #tpu.memory_space<hbm>>
        tpu.enqueue_indirect_dma source(%dma_start3A_774 : memref<1000000x64xf32, #tpu.memory_space<hbm>>) target(%dma_start3A_768 : memref<128x64xf32, #tpu.memory_space<vmem>>) offsets(%dma_start3A_771 : memref<128xi32, #tpu.memory_space<vmem>>) semaphore(%arg10 : memref<!tpu.dma_semaphore, #tpu.memory_space<semaphore_mem>>)
      } else {
      }
      %ge3A = arith.constant 2 : i32
      %ge3A_367 = arith.cmpi sge, %add3A_351, %ge3A : i32
      %convert_element_type3A_368 = arith.extui %ge3A_367 : i1 to i32
      %cond3A_369 = arith.constant 0 : i32
      %cond3A_370 = arith.cmpi ne, %convert_element_type3A_368, %cond3A_369 : i32
      scf.if %cond3A_370 {
        %sub3A = arith.constant 2 : i32
        %sub3A_762 = arith.subi %add3A_351, %sub3A : i32
        %mul3A_763 = arith.constant 8 : i32
        %mul3A_764 = arith.muli %sub3A_762, %mul3A_763 : i32
        %add3A_765 = arith.constant 0 : i32
        %add3A_766 = arith.addi %mul3A_764, %add3A_765 : i32
        %mul3A_767 = arith.constant 32 : i32
        %mul3A_768 = arith.muli %add3A_766, %mul3A_767 : i32
        %add3A_769 = arith.addi %mul3A_768, %add3A : i32
        %mul3A_770 = arith.constant 8 : i32
        %mul3A_771 = arith.muli %add3A_769, %mul3A_770 : i32
        %dma_wait3A_772 = arith.constant 0 : i32
        %dma_wait3A_773 = arith.constant 0 : i32
        %dma_wait3A_774 = arith.constant 0 : i32
        %dma_wait3A_775 = tpu.memref_slice %arg8[%dma_wait3A_772, %dma_wait3A_773, %dma_wait3A_774] : memref<2x64x133xf32, #tpu.memory_space<vmem>> -> memref<1x8x128xf32, #tpu.memory_space<vmem>>
        %dma_wait3A_776 = tpu.memref_squeeze %dma_wait3A_775 : memref<1x8x128xf32, #tpu.memory_space<vmem>> -> memref<8x128xf32, #tpu.memory_space<vmem>>
        %dma_wait3A_777 = arith.constant 0 : i32
        %dma_wait3A_778 = tpu.memref_slice %arg4[%mul3A_771, %dma_wait3A_777] : memref<409600x128xf32, #tpu.memory_space<hbm>> -> memref<8x128xf32, #tpu.memory_space<hbm>>
        %dma_wait3A_779 = arith.constant 0 : i32
        %dma_wait3A_780 = tpu.memref_slice %arg4[%mul3A_771, %dma_wait3A_779] : memref<409600x128xf32, #tpu.memory_space<hbm>> -> memref<8x128xf32, #tpu.memory_space<hbm>>
        %dma_wait3A_781 = arith.constant 0 : i32
        %dma_wait3A_782 = arith.constant 0 : i32
        %dma_wait3A_783 = tpu.memref_slice %arg8[%dma_wait3A_772, %dma_wait3A_781, %dma_wait3A_782] : memref<2x64x133xf32, #tpu.memory_space<vmem>> -> memref<1x8x128xf32, #tpu.memory_space<vmem>>
        %dma_wait3A_784 = tpu.memref_squeeze %dma_wait3A_783 : memref<1x8x128xf32, #tpu.memory_space<vmem>> -> memref<8x128xf32, #tpu.memory_space<vmem>>
        tpu.wait_dma2 semaphore(%arg11 : memref<!tpu.dma_semaphore, #tpu.memory_space<semaphore_mem>>) src(%dma_wait3A_784 : memref<8x128xf32, #tpu.memory_space<vmem>>) dst(%dma_wait3A_780 : memref<8x128xf32, #tpu.memory_space<hbm>>)
        %sub3A_785 = arith.constant 2 : i32
        %sub3A_786 = arith.subi %add3A_351, %sub3A_785 : i32
        %mul3A_787 = arith.constant 8 : i32
        %mul3A_788 = arith.muli %sub3A_786, %mul3A_787 : i32
        %add3A_789 = arith.constant 1 : i32
        %add3A_790 = arith.addi %mul3A_788, %add3A_789 : i32
        %mul3A_791 = arith.constant 32 : i32
        %mul3A_792 = arith.muli %add3A_790, %mul3A_791 : i32
        %add3A_793 = arith.addi %mul3A_792, %add3A : i32
        %mul3A_794 = arith.constant 8 : i32
        %mul3A_795 = arith.muli %add3A_793, %mul3A_794 : i32
        %dma_wait3A_796 = arith.constant 0 : i32
        %dma_wait3A_797 = arith.constant 8 : i32
        %dma_wait3A_798 = arith.constant 0 : i32
        %dma_wait3A_799 = tpu.memref_slice %arg8[%dma_wait3A_796, %dma_wait3A_797, %dma_wait3A_798] : memref<2x64x133xf32, #tpu.memory_space<vmem>> -> memref<1x8x128xf32, #tpu.memory_space<vmem>>
        %dma_wait3A_800 = tpu.memref_squeeze %dma_wait3A_799 : memref<1x8x128xf32, #tpu.memory_space<vmem>> -> memref<8x128xf32, #tpu.memory_space<vmem>>
        %dma_wait3A_801 = arith.constant 0 : i32
        %dma_wait3A_802 = tpu.memref_slice %arg4[%mul3A_795, %dma_wait3A_801] : memref<409600x128xf32, #tpu.memory_space<hbm>> -> memref<8x128xf32, #tpu.memory_space<hbm>>
        %dma_wait3A_803 = arith.constant 0 : i32
        %dma_wait3A_804 = tpu.memref_slice %arg4[%mul3A_795, %dma_wait3A_803] : memref<409600x128xf32, #tpu.memory_space<hbm>> -> memref<8x128xf32, #tpu.memory_space<hbm>>
        %dma_wait3A_805 = arith.constant 8 : i32
        %dma_wait3A_806 = arith.constant 0 : i32
        %dma_wait3A_807 = tpu.memref_slice %arg8[%dma_wait3A_796, %dma_wait3A_805, %dma_wait3A_806] : memref<2x64x133xf32, #tpu.memory_space<vmem>> -> memref<1x8x128xf32, #tpu.memory_space<vmem>>
        %dma_wait3A_808 = tpu.memref_squeeze %dma_wait3A_807 : memref<1x8x128xf32, #tpu.memory_space<vmem>> -> memref<8x128xf32, #tpu.memory_space<vmem>>
        tpu.wait_dma2 semaphore(%arg11 : memref<!tpu.dma_semaphore, #tpu.memory_space<semaphore_mem>>) src(%dma_wait3A_808 : memref<8x128xf32, #tpu.memory_space<vmem>>) dst(%dma_wait3A_804 : memref<8x128xf32, #tpu.memory_space<hbm>>)
        %sub3A_809 = arith.constant 2 : i32
        %sub3A_810 = arith.subi %add3A_351, %sub3A_809 : i32
        %mul3A_811 = arith.constant 8 : i32
        %mul3A_812 = arith.muli %sub3A_810, %mul3A_811 : i32
        %add3A_813 = arith.constant 2 : i32
        %add3A_814 = arith.addi %mul3A_812, %add3A_813 : i32
        %mul3A_815 = arith.constant 32 : i32
        %mul3A_816 = arith.muli %add3A_814, %mul3A_815 : i32
        %add3A_817 = arith.addi %mul3A_816, %add3A : i32
        %mul3A_818 = arith.constant 8 : i32
        %mul3A_819 = arith.muli %add3A_817, %mul3A_818 : i32
        %dma_wait3A_820 = arith.constant 0 : i32
        %dma_wait3A_821 = arith.constant 16 : i32
        %dma_wait3A_822 = arith.constant 0 : i32
        %dma_wait3A_823 = tpu.memref_slice %arg8[%dma_wait3A_820, %dma_wait3A_821, %dma_wait3A_822] : memref<2x64x133xf32, #tpu.memory_space<vmem>> -> memref<1x8x128xf32, #tpu.memory_space<vmem>>
        %dma_wait3A_824 = tpu.memref_squeeze %dma_wait3A_823 : memref<1x8x128xf32, #tpu.memory_space<vmem>> -> memref<8x128xf32, #tpu.memory_space<vmem>>
        %dma_wait3A_825 = arith.constant 0 : i32
        %dma_wait3A_826 = tpu.memref_slice %arg4[%mul3A_819, %dma_wait3A_825] : memref<409600x128xf32, #tpu.memory_space<hbm>> -> memref<8x128xf32, #tpu.memory_space<hbm>>
        %dma_wait3A_827 = arith.constant 0 : i32
        %dma_wait3A_828 = tpu.memref_slice %arg4[%mul3A_819, %dma_wait3A_827] : memref<409600x128xf32, #tpu.memory_space<hbm>> -> memref<8x128xf32, #tpu.memory_space<hbm>>
        %dma_wait3A_829 = arith.constant 16 : i32
        %dma_wait3A_830 = arith.constant 0 : i32
        %dma_wait3A_831 = tpu.memref_slice %arg8[%dma_wait3A_820, %dma_wait3A_829, %dma_wait3A_830] : memref<2x64x133xf32, #tpu.memory_space<vmem>> -> memref<1x8x128xf32, #tpu.memory_space<vmem>>
        %dma_wait3A_832 = tpu.memref_squeeze %dma_wait3A_831 : memref<1x8x128xf32, #tpu.memory_space<vmem>> -> memref<8x128xf32, #tpu.memory_space<vmem>>
        tpu.wait_dma2 semaphore(%arg11 : memref<!tpu.dma_semaphore, #tpu.memory_space<semaphore_mem>>) src(%dma_wait3A_832 : memref<8x128xf32, #tpu.memory_space<vmem>>) dst(%dma_wait3A_828 : memref<8x128xf32, #tpu.memory_space<hbm>>)
        %sub3A_833 = arith.constant 2 : i32
        %sub3A_834 = arith.subi %add3A_351, %sub3A_833 : i32
        %mul3A_835 = arith.constant 8 : i32
        %mul3A_836 = arith.muli %sub3A_834, %mul3A_835 : i32
        %add3A_837 = arith.constant 3 : i32
        %add3A_838 = arith.addi %mul3A_836, %add3A_837 : i32
        %mul3A_839 = arith.constant 32 : i32
        %mul3A_840 = arith.muli %add3A_838, %mul3A_839 : i32
        %add3A_841 = arith.addi %mul3A_840, %add3A : i32
        %mul3A_842 = arith.constant 8 : i32
        %mul3A_843 = arith.muli %add3A_841, %mul3A_842 : i32
        %dma_wait3A_844 = arith.constant 0 : i32
        %dma_wait3A_845 = arith.constant 24 : i32
        %dma_wait3A_846 = arith.constant 0 : i32
        %dma_wait3A_847 = tpu.memref_slice %arg8[%dma_wait3A_844, %dma_wait3A_845, %dma_wait3A_846] : memref<2x64x133xf32, #tpu.memory_space<vmem>> -> memref<1x8x128xf32, #tpu.memory_space<vmem>>
        %dma_wait3A_848 = tpu.memref_squeeze %dma_wait3A_847 : memref<1x8x128xf32, #tpu.memory_space<vmem>> -> memref<8x128xf32, #tpu.memory_space<vmem>>
        %dma_wait3A_849 = arith.constant 0 : i32
        %dma_wait3A_850 = tpu.memref_slice %arg4[%mul3A_843, %dma_wait3A_849] : memref<409600x128xf32, #tpu.memory_space<hbm>> -> memref<8x128xf32, #tpu.memory_space<hbm>>
        %dma_wait3A_851 = arith.constant 0 : i32
        %dma_wait3A_852 = tpu.memref_slice %arg4[%mul3A_843, %dma_wait3A_851] : memref<409600x128xf32, #tpu.memory_space<hbm>> -> memref<8x128xf32, #tpu.memory_space<hbm>>
        %dma_wait3A_853 = arith.constant 24 : i32
        %dma_wait3A_854 = arith.constant 0 : i32
        %dma_wait3A_855 = tpu.memref_slice %arg8[%dma_wait3A_844, %dma_wait3A_853, %dma_wait3A_854] : memref<2x64x133xf32, #tpu.memory_space<vmem>> -> memref<1x8x128xf32, #tpu.memory_space<vmem>>
        %dma_wait3A_856 = tpu.memref_squeeze %dma_wait3A_855 : memref<1x8x128xf32, #tpu.memory_space<vmem>> -> memref<8x128xf32, #tpu.memory_space<vmem>>
        tpu.wait_dma2 semaphore(%arg11 : memref<!tpu.dma_semaphore, #tpu.memory_space<semaphore_mem>>) src(%dma_wait3A_856 : memref<8x128xf32, #tpu.memory_space<vmem>>) dst(%dma_wait3A_852 : memref<8x128xf32, #tpu.memory_space<hbm>>)
        %sub3A_857 = arith.constant 2 : i32
        %sub3A_858 = arith.subi %add3A_351, %sub3A_857 : i32
        %mul3A_859 = arith.constant 8 : i32
        %mul3A_860 = arith.muli %sub3A_858, %mul3A_859 : i32
        %add3A_861 = arith.constant 4 : i32
        %add3A_862 = arith.addi %mul3A_860, %add3A_861 : i32
        %mul3A_863 = arith.constant 32 : i32
        %mul3A_864 = arith.muli %add3A_862, %mul3A_863 : i32
        %add3A_865 = arith.addi %mul3A_864, %add3A : i32
        %mul3A_866 = arith.constant 8 : i32
        %mul3A_867 = arith.muli %add3A_865, %mul3A_866 : i32
        %dma_wait3A_868 = arith.constant 0 : i32
        %dma_wait3A_869 = arith.constant 32 : i32
        %dma_wait3A_870 = arith.constant 0 : i32
        %dma_wait3A_871 = tpu.memref_slice %arg8[%dma_wait3A_868, %dma_wait3A_869, %dma_wait3A_870] : memref<2x64x133xf32, #tpu.memory_space<vmem>> -> memref<1x8x128xf32, #tpu.memory_space<vmem>>
        %dma_wait3A_872 = tpu.memref_squeeze %dma_wait3A_871 : memref<1x8x128xf32, #tpu.memory_space<vmem>> -> memref<8x128xf32, #tpu.memory_space<vmem>>
        %dma_wait3A_873 = arith.constant 0 : i32
        %dma_wait3A_874 = tpu.memref_slice %arg4[%mul3A_867, %dma_wait3A_873] : memref<409600x128xf32, #tpu.memory_space<hbm>> -> memref<8x128xf32, #tpu.memory_space<hbm>>
        %dma_wait3A_875 = arith.constant 0 : i32
        %dma_wait3A_876 = tpu.memref_slice %arg4[%mul3A_867, %dma_wait3A_875] : memref<409600x128xf32, #tpu.memory_space<hbm>> -> memref<8x128xf32, #tpu.memory_space<hbm>>
        %dma_wait3A_877 = arith.constant 32 : i32
        %dma_wait3A_878 = arith.constant 0 : i32
        %dma_wait3A_879 = tpu.memref_slice %arg8[%dma_wait3A_868, %dma_wait3A_877, %dma_wait3A_878] : memref<2x64x133xf32, #tpu.memory_space<vmem>> -> memref<1x8x128xf32, #tpu.memory_space<vmem>>
        %dma_wait3A_880 = tpu.memref_squeeze %dma_wait3A_879 : memref<1x8x128xf32, #tpu.memory_space<vmem>> -> memref<8x128xf32, #tpu.memory_space<vmem>>
        tpu.wait_dma2 semaphore(%arg11 : memref<!tpu.dma_semaphore, #tpu.memory_space<semaphore_mem>>) src(%dma_wait3A_880 : memref<8x128xf32, #tpu.memory_space<vmem>>) dst(%dma_wait3A_876 : memref<8x128xf32, #tpu.memory_space<hbm>>)
        %sub3A_881 = arith.constant 2 : i32
        %sub3A_882 = arith.subi %add3A_351, %sub3A_881 : i32
        %mul3A_883 = arith.constant 8 : i32
        %mul3A_884 = arith.muli %sub3A_882, %mul3A_883 : i32
        %add3A_885 = arith.constant 5 : i32
        %add3A_886 = arith.addi %mul3A_884, %add3A_885 : i32
        %mul3A_887 = arith.constant 32 : i32
        %mul3A_888 = arith.muli %add3A_886, %mul3A_887 : i32
        %add3A_889 = arith.addi %mul3A_888, %add3A : i32
        %mul3A_890 = arith.constant 8 : i32
        %mul3A_891 = arith.muli %add3A_889, %mul3A_890 : i32
        %dma_wait3A_892 = arith.constant 0 : i32
        %dma_wait3A_893 = arith.constant 40 : i32
        %dma_wait3A_894 = arith.constant 0 : i32
        %dma_wait3A_895 = tpu.memref_slice %arg8[%dma_wait3A_892, %dma_wait3A_893, %dma_wait3A_894] : memref<2x64x133xf32, #tpu.memory_space<vmem>> -> memref<1x8x128xf32, #tpu.memory_space<vmem>>
        %dma_wait3A_896 = tpu.memref_squeeze %dma_wait3A_895 : memref<1x8x128xf32, #tpu.memory_space<vmem>> -> memref<8x128xf32, #tpu.memory_space<vmem>>
        %dma_wait3A_897 = arith.constant 0 : i32
        %dma_wait3A_898 = tpu.memref_slice %arg4[%mul3A_891, %dma_wait3A_897] : memref<409600x128xf32, #tpu.memory_space<hbm>> -> memref<8x128xf32, #tpu.memory_space<hbm>>
        %dma_wait3A_899 = arith.constant 0 : i32
        %dma_wait3A_900 = tpu.memref_slice %arg4[%mul3A_891, %dma_wait3A_899] : memref<409600x128xf32, #tpu.memory_space<hbm>> -> memref<8x128xf32, #tpu.memory_space<hbm>>
        %dma_wait3A_901 = arith.constant 40 : i32
        %dma_wait3A_902 = arith.constant 0 : i32
        %dma_wait3A_903 = tpu.memref_slice %arg8[%dma_wait3A_892, %dma_wait3A_901, %dma_wait3A_902] : memref<2x64x133xf32, #tpu.memory_space<vmem>> -> memref<1x8x128xf32, #tpu.memory_space<vmem>>
        %dma_wait3A_904 = tpu.memref_squeeze %dma_wait3A_903 : memref<1x8x128xf32, #tpu.memory_space<vmem>> -> memref<8x128xf32, #tpu.memory_space<vmem>>
        tpu.wait_dma2 semaphore(%arg11 : memref<!tpu.dma_semaphore, #tpu.memory_space<semaphore_mem>>) src(%dma_wait3A_904 : memref<8x128xf32, #tpu.memory_space<vmem>>) dst(%dma_wait3A_900 : memref<8x128xf32, #tpu.memory_space<hbm>>)
        %sub3A_905 = arith.constant 2 : i32
        %sub3A_906 = arith.subi %add3A_351, %sub3A_905 : i32
        %mul3A_907 = arith.constant 8 : i32
        %mul3A_908 = arith.muli %sub3A_906, %mul3A_907 : i32
        %add3A_909 = arith.constant 6 : i32
        %add3A_910 = arith.addi %mul3A_908, %add3A_909 : i32
        %mul3A_911 = arith.constant 32 : i32
        %mul3A_912 = arith.muli %add3A_910, %mul3A_911 : i32
        %add3A_913 = arith.addi %mul3A_912, %add3A : i32
        %mul3A_914 = arith.constant 8 : i32
        %mul3A_915 = arith.muli %add3A_913, %mul3A_914 : i32
        %dma_wait3A_916 = arith.constant 0 : i32
        %dma_wait3A_917 = arith.constant 48 : i32
        %dma_wait3A_918 = arith.constant 0 : i32
        %dma_wait3A_919 = tpu.memref_slice %arg8[%dma_wait3A_916, %dma_wait3A_917, %dma_wait3A_918] : memref<2x64x133xf32, #tpu.memory_space<vmem>> -> memref<1x8x128xf32, #tpu.memory_space<vmem>>
        %dma_wait3A_920 = tpu.memref_squeeze %dma_wait3A_919 : memref<1x8x128xf32, #tpu.memory_space<vmem>> -> memref<8x128xf32, #tpu.memory_space<vmem>>
        %dma_wait3A_921 = arith.constant 0 : i32
        %dma_wait3A_922 = tpu.memref_slice %arg4[%mul3A_915, %dma_wait3A_921] : memref<409600x128xf32, #tpu.memory_space<hbm>> -> memref<8x128xf32, #tpu.memory_space<hbm>>
        %dma_wait3A_923 = arith.constant 0 : i32
        %dma_wait3A_924 = tpu.memref_slice %arg4[%mul3A_915, %dma_wait3A_923] : memref<409600x128xf32, #tpu.memory_space<hbm>> -> memref<8x128xf32, #tpu.memory_space<hbm>>
        %dma_wait3A_925 = arith.constant 48 : i32
        %dma_wait3A_926 = arith.constant 0 : i32
        %dma_wait3A_927 = tpu.memref_slice %arg8[%dma_wait3A_916, %dma_wait3A_925, %dma_wait3A_926] : memref<2x64x133xf32, #tpu.memory_space<vmem>> -> memref<1x8x128xf32, #tpu.memory_space<vmem>>
        %dma_wait3A_928 = tpu.memref_squeeze %dma_wait3A_927 : memref<1x8x128xf32, #tpu.memory_space<vmem>> -> memref<8x128xf32, #tpu.memory_space<vmem>>
        tpu.wait_dma2 semaphore(%arg11 : memref<!tpu.dma_semaphore, #tpu.memory_space<semaphore_mem>>) src(%dma_wait3A_928 : memref<8x128xf32, #tpu.memory_space<vmem>>) dst(%dma_wait3A_924 : memref<8x128xf32, #tpu.memory_space<hbm>>)
        %sub3A_929 = arith.constant 2 : i32
        %sub3A_930 = arith.subi %add3A_351, %sub3A_929 : i32
        %mul3A_931 = arith.constant 8 : i32
        %mul3A_932 = arith.muli %sub3A_930, %mul3A_931 : i32
        %add3A_933 = arith.constant 7 : i32
        %add3A_934 = arith.addi %mul3A_932, %add3A_933 : i32
        %mul3A_935 = arith.constant 32 : i32
        %mul3A_936 = arith.muli %add3A_934, %mul3A_935 : i32
        %add3A_937 = arith.addi %mul3A_936, %add3A : i32
        %mul3A_938 = arith.constant 8 : i32
        %mul3A_939 = arith.muli %add3A_937, %mul3A_938 : i32
        %dma_wait3A_940 = arith.constant 0 : i32
        %dma_wait3A_941 = arith.constant 56 : i32
        %dma_wait3A_942 = arith.constant 0 : i32
        %dma_wait3A_943 = tpu.memref_slice %arg8[%dma_wait3A_940, %dma_wait3A_941, %dma_wait3A_942] : memref<2x64x133xf32, #tpu.memory_space<vmem>> -> memref<1x8x128xf32, #tpu.memory_space<vmem>>
        %dma_wait3A_944 = tpu.memref_squeeze %dma_wait3A_943 : memref<1x8x128xf32, #tpu.memory_space<vmem>> -> memref<8x128xf32, #tpu.memory_space<vmem>>
        %dma_wait3A_945 = arith.constant 0 : i32
        %dma_wait3A_946 = tpu.memref_slice %arg4[%mul3A_939, %dma_wait3A_945] : memref<409600x128xf32, #tpu.memory_space<hbm>> -> memref<8x128xf32, #tpu.memory_space<hbm>>
        %dma_wait3A_947 = arith.constant 0 : i32
        %dma_wait3A_948 = tpu.memref_slice %arg4[%mul3A_939, %dma_wait3A_947] : memref<409600x128xf32, #tpu.memory_space<hbm>> -> memref<8x128xf32, #tpu.memory_space<hbm>>
        %dma_wait3A_949 = arith.constant 56 : i32
        %dma_wait3A_950 = arith.constant 0 : i32
        %dma_wait3A_951 = tpu.memref_slice %arg8[%dma_wait3A_940, %dma_wait3A_949, %dma_wait3A_950] : memref<2x64x133xf32, #tpu.memory_space<vmem>> -> memref<1x8x128xf32, #tpu.memory_space<vmem>>
        %dma_wait3A_952 = tpu.memref_squeeze %dma_wait3A_951 : memref<1x8x128xf32, #tpu.memory_space<vmem>> -> memref<8x128xf32, #tpu.memory_space<vmem>>
        tpu.wait_dma2 semaphore(%arg11 : memref<!tpu.dma_semaphore, #tpu.memory_space<semaphore_mem>>) src(%dma_wait3A_952 : memref<8x128xf32, #tpu.memory_space<vmem>>) dst(%dma_wait3A_948 : memref<8x128xf32, #tpu.memory_space<hbm>>)
      } else {
      }
      %scan3A_371 = arith.constant 0 : i32
      %scan3A_372 = arith.constant 0 : i32
      %scan3A_373 = arith.constant 64 : i32
      %scan3A_374 = arith.addi %scan3A_372, %scan3A_373 : i32
      %scan3A_375 = arith.constant 1 : i32
      scf.for %scan3A_762 = %scan3A_372 to %scan3A_374 step %scan3A_375  : i32 {
        %mul3A_763 = arith.constant 2 : i32
        %mul3A_764 = arith.muli %scan3A_762, %mul3A_763 : i32
        %add3A_765 = arith.constant 0 : i32
        %add3A_766 = arith.addi %mul3A_764, %add3A_765 : i32
        %broadcast_in_dim3A = vector.broadcast %add3A_766 : i32 to vector<16xi32>
        %get3A = arith.constant 0 : i32
        %get3A_767 = arith.index_cast %get3A : i32 to index
        %get3A_768 = arith.index_cast %add3A_766 : i32 to index
        %get3A_769 = arith.constant 0 : index
        %get3A_770 = tpu.vector_load %arg7[%get3A_767, %get3A_768, %get3A_769] {strides = array<i32>} : memref<2x128x64xf32, #tpu.memory_space<vmem>>, vector<16xf32>,
        %scatter3A = arith.constant 0 : i32
        %scatter3A_771 = arith.constant 0 : i32
        %scatter3A_772 = arith.constant 0 : i32
        %scatter3A_773 = tpu.memref_slice %arg8[%scatter3A, %scatter3A_771, %scatter3A_772] : memref<2x64x133xf32, #tpu.memory_space<vmem>> -> memref<1x64x133xf32, #tpu.memory_space<vmem>>
        %scatter3A_774 = tpu.memref_squeeze %scatter3A_773 : memref<1x64x133xf32, #tpu.memory_space<vmem>> -> memref<64x133xf32, #tpu.memory_space<vmem>>
        tpu.vector_store_idx %scatter3A_774[%add3A_44, %broadcast_in_dim3A], %get3A_770 : memref<64x133xf32, #tpu.memory_space<vmem>>[vector<16xi32>, vector<16xi32>], vector<16xf32>,
        %get3A_775 = arith.constant 0 : i32
        %get3A_776 = arith.index_cast %get3A_775 : i32 to index
        %get3A_777 = arith.index_cast %add3A_766 : i32 to index
        %get3A_778 = arith.constant 16 : index
        %get3A_779 = tpu.vector_load %arg7[%get3A_776, %get3A_777, %get3A_778] {strides = array<i32>} : memref<2x128x64xf32, #tpu.memory_space<vmem>>, vector<16xf32>,
        %scatter3A_780 = arith.constant 0 : i32
        %scatter3A_781 = arith.constant 0 : i32
        %scatter3A_782 = arith.constant 0 : i32
        %scatter3A_783 = tpu.memref_slice %arg8[%scatter3A_780, %scatter3A_781, %scatter3A_782] : memref<2x64x133xf32, #tpu.memory_space<vmem>> -> memref<1x64x133xf32, #tpu.memory_space<vmem>>
        %scatter3A_784 = tpu.memref_squeeze %scatter3A_783 : memref<1x64x133xf32, #tpu.memory_space<vmem>> -> memref<64x133xf32, #tpu.memory_space<vmem>>
        tpu.vector_store_idx %scatter3A_784[%add3A_47, %broadcast_in_dim3A], %get3A_779 : memref<64x133xf32, #tpu.memory_space<vmem>>[vector<16xi32>, vector<16xi32>], vector<16xf32>,
        %get3A_785 = arith.constant 0 : i32
        %get3A_786 = arith.index_cast %get3A_785 : i32 to index
        %get3A_787 = arith.index_cast %add3A_766 : i32 to index
        %get3A_788 = arith.constant 32 : index
        %get3A_789 = tpu.vector_load %arg7[%get3A_786, %get3A_787, %get3A_788] {strides = array<i32>} : memref<2x128x64xf32, #tpu.memory_space<vmem>>, vector<16xf32>,
        %scatter3A_790 = arith.constant 0 : i32
        %scatter3A_791 = arith.constant 0 : i32
        %scatter3A_792 = arith.constant 0 : i32
        %scatter3A_793 = tpu.memref_slice %arg8[%scatter3A_790, %scatter3A_791, %scatter3A_792] : memref<2x64x133xf32, #tpu.memory_space<vmem>> -> memref<1x64x133xf32, #tpu.memory_space<vmem>>
        %scatter3A_794 = tpu.memref_squeeze %scatter3A_793 : memref<1x64x133xf32, #tpu.memory_space<vmem>> -> memref<64x133xf32, #tpu.memory_space<vmem>>
        tpu.vector_store_idx %scatter3A_794[%add3A_50, %broadcast_in_dim3A], %get3A_789 : memref<64x133xf32, #tpu.memory_space<vmem>>[vector<16xi32>, vector<16xi32>], vector<16xf32>,
        %get3A_795 = arith.constant 0 : i32
        %get3A_796 = arith.index_cast %get3A_795 : i32 to index
        %get3A_797 = arith.index_cast %add3A_766 : i32 to index
        %get3A_798 = arith.constant 48 : index
        %get3A_799 = tpu.vector_load %arg7[%get3A_796, %get3A_797, %get3A_798] {strides = array<i32>} : memref<2x128x64xf32, #tpu.memory_space<vmem>>, vector<16xf32>,
        %scatter3A_800 = arith.constant 0 : i32
        %scatter3A_801 = arith.constant 0 : i32
        %scatter3A_802 = arith.constant 0 : i32
        %scatter3A_803 = tpu.memref_slice %arg8[%scatter3A_800, %scatter3A_801, %scatter3A_802] : memref<2x64x133xf32, #tpu.memory_space<vmem>> -> memref<1x64x133xf32, #tpu.memory_space<vmem>>
        %scatter3A_804 = tpu.memref_squeeze %scatter3A_803 : memref<1x64x133xf32, #tpu.memory_space<vmem>> -> memref<64x133xf32, #tpu.memory_space<vmem>>
        tpu.vector_store_idx %scatter3A_804[%add3A_53, %broadcast_in_dim3A], %get3A_799 : memref<64x133xf32, #tpu.memory_space<vmem>>[vector<16xi32>, vector<16xi32>], vector<16xf32>,
        %mul3A_805 = arith.constant 2 : i32
        %mul3A_806 = arith.muli %scan3A_762, %mul3A_805 : i32
        %add3A_807 = arith.constant 1 : i32
        %add3A_808 = arith.addi %mul3A_806, %add3A_807 : i32
        %broadcast_in_dim3A_809 = vector.broadcast %add3A_808 : i32 to vector<16xi32>
        %get3A_810 = arith.constant 0 : i32
        %get3A_811 = arith.index_cast %get3A_810 : i32 to index
        %get3A_812 = arith.index_cast %add3A_808 : i32 to index
        %get3A_813 = arith.constant 0 : index
        %get3A_814 = tpu.vector_load %arg7[%get3A_811, %get3A_812, %get3A_813] {strides = array<i32>} : memref<2x128x64xf32, #tpu.memory_space<vmem>>, vector<16xf32>,
        %scatter3A_815 = arith.constant 0 : i32
        %scatter3A_816 = arith.constant 0 : i32
        %scatter3A_817 = arith.constant 0 : i32
        %scatter3A_818 = tpu.memref_slice %arg8[%scatter3A_815, %scatter3A_816, %scatter3A_817] : memref<2x64x133xf32, #tpu.memory_space<vmem>> -> memref<1x64x133xf32, #tpu.memory_space<vmem>>
        %scatter3A_819 = tpu.memref_squeeze %scatter3A_818 : memref<1x64x133xf32, #tpu.memory_space<vmem>> -> memref<64x133xf32, #tpu.memory_space<vmem>>
        tpu.vector_store_idx %scatter3A_819[%add3A_44, %broadcast_in_dim3A_809], %get3A_814 : memref<64x133xf32, #tpu.memory_space<vmem>>[vector<16xi32>, vector<16xi32>], vector<16xf32>,
        %get3A_820 = arith.constant 0 : i32
        %get3A_821 = arith.index_cast %get3A_820 : i32 to index
        %get3A_822 = arith.index_cast %add3A_808 : i32 to index
        %get3A_823 = arith.constant 16 : index
        %get3A_824 = tpu.vector_load %arg7[%get3A_821, %get3A_822, %get3A_823] {strides = array<i32>} : memref<2x128x64xf32, #tpu.memory_space<vmem>>, vector<16xf32>,
        %scatter3A_825 = arith.constant 0 : i32
        %scatter3A_826 = arith.constant 0 : i32
        %scatter3A_827 = arith.constant 0 : i32
        %scatter3A_828 = tpu.memref_slice %arg8[%scatter3A_825, %scatter3A_826, %scatter3A_827] : memref<2x64x133xf32, #tpu.memory_space<vmem>> -> memref<1x64x133xf32, #tpu.memory_space<vmem>>
        %scatter3A_829 = tpu.memref_squeeze %scatter3A_828 : memref<1x64x133xf32, #tpu.memory_space<vmem>> -> memref<64x133xf32, #tpu.memory_space<vmem>>
        tpu.vector_store_idx %scatter3A_829[%add3A_47, %broadcast_in_dim3A_809], %get3A_824 : memref<64x133xf32, #tpu.memory_space<vmem>>[vector<16xi32>, vector<16xi32>], vector<16xf32>,
        %get3A_830 = arith.constant 0 : i32
        %get3A_831 = arith.index_cast %get3A_830 : i32 to index
        %get3A_832 = arith.index_cast %add3A_808 : i32 to index
        %get3A_833 = arith.constant 32 : index
        %get3A_834 = tpu.vector_load %arg7[%get3A_831, %get3A_832, %get3A_833] {strides = array<i32>} : memref<2x128x64xf32, #tpu.memory_space<vmem>>, vector<16xf32>,
        %scatter3A_835 = arith.constant 0 : i32
        %scatter3A_836 = arith.constant 0 : i32
        %scatter3A_837 = arith.constant 0 : i32
        %scatter3A_838 = tpu.memref_slice %arg8[%scatter3A_835, %scatter3A_836, %scatter3A_837] : memref<2x64x133xf32, #tpu.memory_space<vmem>> -> memref<1x64x133xf32, #tpu.memory_space<vmem>>
        %scatter3A_839 = tpu.memref_squeeze %scatter3A_838 : memref<1x64x133xf32, #tpu.memory_space<vmem>> -> memref<64x133xf32, #tpu.memory_space<vmem>>
        tpu.vector_store_idx %scatter3A_839[%add3A_50, %broadcast_in_dim3A_809], %get3A_834 : memref<64x133xf32, #tpu.memory_space<vmem>>[vector<16xi32>, vector<16xi32>], vector<16xf32>,
        %get3A_840 = arith.constant 0 : i32
        %get3A_841 = arith.index_cast %get3A_840 : i32 to index
        %get3A_842 = arith.index_cast %add3A_808 : i32 to index
        %get3A_843 = arith.constant 48 : index
        %get3A_844 = tpu.vector_load %arg7[%get3A_841, %get3A_842, %get3A_843] {strides = array<i32>} : memref<2x128x64xf32, #tpu.memory_space<vmem>>, vector<16xf32>,
        %scatter3A_845 = arith.constant 0 : i32
        %scatter3A_846 = arith.constant 0 : i32
        %scatter3A_847 = arith.constant 0 : i32
        %scatter3A_848 = tpu.memref_slice %arg8[%scatter3A_845, %scatter3A_846, %scatter3A_847] : memref<2x64x133xf32, #tpu.memory_space<vmem>> -> memref<1x64x133xf32, #tpu.memory_space<vmem>>
        %scatter3A_849 = tpu.memref_squeeze %scatter3A_848 : memref<1x64x133xf32, #tpu.memory_space<vmem>> -> memref<64x133xf32, #tpu.memory_space<vmem>>
        tpu.vector_store_idx %scatter3A_849[%add3A_53, %broadcast_in_dim3A_809], %get3A_844 : memref<64x133xf32, #tpu.memory_space<vmem>>[vector<16xi32>, vector<16xi32>], vector<16xf32>,
      }
      %scan3A_376 = arith.constant 64 : i32
      %mul3A_377 = arith.constant 8 : i32
      %mul3A_378 = arith.muli %add3A_351, %mul3A_377 : i32
      %add3A_379 = arith.constant 0 : i32
      %add3A_380 = arith.addi %mul3A_378, %add3A_379 : i32
      %mul3A_381 = arith.constant 32 : i32
      %mul3A_382 = arith.muli %add3A_380, %mul3A_381 : i32
      %add3A_383 = arith.addi %mul3A_382, %add3A : i32
      %mul3A_384 = arith.constant 8 : i32
      %mul3A_385 = arith.muli %add3A_383, %mul3A_384 : i32
      %dma_start3A_386 = arith.constant 0 : i32
      %dma_start3A_387 = arith.constant 0 : i32
      %dma_start3A_388 = arith.constant 0 : i32
      %dma_start3A_389 = tpu.memref_slice %arg8[%dma_start3A_386, %dma_start3A_387, %dma_start3A_388] : memref<2x64x133xf32, #tpu.memory_space<vmem>> -> memref<1x8x128xf32, #tpu.memory_space<vmem>>
      %dma_start3A_390 = tpu.memref_squeeze %dma_start3A_389 : memref<1x8x128xf32, #tpu.memory_space<vmem>> -> memref<8x128xf32, #tpu.memory_space<vmem>>
      %dma_start3A_391 = arith.constant 0 : i32
      %dma_start3A_392 = tpu.memref_slice %arg4[%mul3A_385, %dma_start3A_391] : memref<409600x128xf32, #tpu.memory_space<hbm>> -> memref<8x128xf32, #tpu.memory_space<hbm>>
      %dma_start3A_393 = arith.constant 0 : i32
      %dma_start3A_394 = tpu.memref_slice %arg4[%mul3A_385, %dma_start3A_393] : memref<409600x128xf32, #tpu.memory_space<hbm>> -> memref<8x128xf32, #tpu.memory_space<hbm>>
      %dma_start3A_395 = arith.constant 0 : i32
      %dma_start3A_396 = arith.constant 0 : i32
      %dma_start3A_397 = tpu.memref_slice %arg8[%dma_start3A_386, %dma_start3A_395, %dma_start3A_396] : memref<2x64x133xf32, #tpu.memory_space<vmem>> -> memref<1x8x128xf32, #tpu.memory_space<vmem>>
      %dma_start3A_398 = tpu.memref_squeeze %dma_start3A_397 : memref<1x8x128xf32, #tpu.memory_space<vmem>> -> memref<8x128xf32, #tpu.memory_space<vmem>>
      tpu.enqueue_dma source(%dma_start3A_398 : memref<8x128xf32, #tpu.memory_space<vmem>>) target(%dma_start3A_394 : memref<8x128xf32, #tpu.memory_space<hbm>>) target_semaphore(%arg11 : memref<!tpu.dma_semaphore, #tpu.memory_space<semaphore_mem>>)
      %mul3A_399 = arith.constant 8 : i32
      %mul3A_400 = arith.muli %add3A_351, %mul3A_399 : i32
      %add3A_401 = arith.constant 1 : i32
      %add3A_402 = arith.addi %mul3A_400, %add3A_401 : i32
      %mul3A_403 = arith.constant 32 : i32
      %mul3A_404 = arith.muli %add3A_402, %mul3A_403 : i32
      %add3A_405 = arith.addi %mul3A_404, %add3A : i32
      %mul3A_406 = arith.constant 8 : i32
      %mul3A_407 = arith.muli %add3A_405, %mul3A_406 : i32
      %dma_start3A_408 = arith.constant 0 : i32
      %dma_start3A_409 = arith.constant 8 : i32
      %dma_start3A_410 = arith.constant 0 : i32
      %dma_start3A_411 = tpu.memref_slice %arg8[%dma_start3A_408, %dma_start3A_409, %dma_start3A_410] : memref<2x64x133xf32, #tpu.memory_space<vmem>> -> memref<1x8x128xf32, #tpu.memory_space<vmem>>
      %dma_start3A_412 = tpu.memref_squeeze %dma_start3A_411 : memref<1x8x128xf32, #tpu.memory_space<vmem>> -> memref<8x128xf32, #tpu.memory_space<vmem>>
      %dma_start3A_413 = arith.constant 0 : i32
      %dma_start3A_414 = tpu.memref_slice %arg4[%mul3A_407, %dma_start3A_413] : memref<409600x128xf32, #tpu.memory_space<hbm>> -> memref<8x128xf32, #tpu.memory_space<hbm>>
      %dma_start3A_415 = arith.constant 0 : i32
      %dma_start3A_416 = tpu.memref_slice %arg4[%mul3A_407, %dma_start3A_415] : memref<409600x128xf32, #tpu.memory_space<hbm>> -> memref<8x128xf32, #tpu.memory_space<hbm>>
      %dma_start3A_417 = arith.constant 8 : i32
      %dma_start3A_418 = arith.constant 0 : i32
      %dma_start3A_419 = tpu.memref_slice %arg8[%dma_start3A_408, %dma_start3A_417, %dma_start3A_418] : memref<2x64x133xf32, #tpu.memory_space<vmem>> -> memref<1x8x128xf32, #tpu.memory_space<vmem>>
      %dma_start3A_420 = tpu.memref_squeeze %dma_start3A_419 : memref<1x8x128xf32, #tpu.memory_space<vmem>> -> memref<8x128xf32, #tpu.memory_space<vmem>>
      tpu.enqueue_dma source(%dma_start3A_420 : memref<8x128xf32, #tpu.memory_space<vmem>>) target(%dma_start3A_416 : memref<8x128xf32, #tpu.memory_space<hbm>>) target_semaphore(%arg11 : memref<!tpu.dma_semaphore, #tpu.memory_space<semaphore_mem>>)
      %mul3A_421 = arith.constant 8 : i32
      %mul3A_422 = arith.muli %add3A_351, %mul3A_421 : i32
      %add3A_423 = arith.constant 2 : i32
      %add3A_424 = arith.addi %mul3A_422, %add3A_423 : i32
      %mul3A_425 = arith.constant 32 : i32
      %mul3A_426 = arith.muli %add3A_424, %mul3A_425 : i32
      %add3A_427 = arith.addi %mul3A_426, %add3A : i32
      %mul3A_428 = arith.constant 8 : i32
      %mul3A_429 = arith.muli %add3A_427, %mul3A_428 : i32
      %dma_start3A_430 = arith.constant 0 : i32
      %dma_start3A_431 = arith.constant 16 : i32
      %dma_start3A_432 = arith.constant 0 : i32
      %dma_start3A_433 = tpu.memref_slice %arg8[%dma_start3A_430, %dma_start3A_431, %dma_start3A_432] : memref<2x64x133xf32, #tpu.memory_space<vmem>> -> memref<1x8x128xf32, #tpu.memory_space<vmem>>
      %dma_start3A_434 = tpu.memref_squeeze %dma_start3A_433 : memref<1x8x128xf32, #tpu.memory_space<vmem>> -> memref<8x128xf32, #tpu.memory_space<vmem>>
      %dma_start3A_435 = arith.constant 0 : i32
      %dma_start3A_436 = tpu.memref_slice %arg4[%mul3A_429, %dma_start3A_435] : memref<409600x128xf32, #tpu.memory_space<hbm>> -> memref<8x128xf32, #tpu.memory_space<hbm>>
      %dma_start3A_437 = arith.constant 0 : i32
      %dma_start3A_438 = tpu.memref_slice %arg4[%mul3A_429, %dma_start3A_437] : memref<409600x128xf32, #tpu.memory_space<hbm>> -> memref<8x128xf32, #tpu.memory_space<hbm>>
      %dma_start3A_439 = arith.constant 16 : i32
      %dma_start3A_440 = arith.constant 0 : i32
      %dma_start3A_441 = tpu.memref_slice %arg8[%dma_start3A_430, %dma_start3A_439, %dma_start3A_440] : memref<2x64x133xf32, #tpu.memory_space<vmem>> -> memref<1x8x128xf32, #tpu.memory_space<vmem>>
      %dma_start3A_442 = tpu.memref_squeeze %dma_start3A_441 : memref<1x8x128xf32, #tpu.memory_space<vmem>> -> memref<8x128xf32, #tpu.memory_space<vmem>>
      tpu.enqueue_dma source(%dma_start3A_442 : memref<8x128xf32, #tpu.memory_space<vmem>>) target(%dma_start3A_438 : memref<8x128xf32, #tpu.memory_space<hbm>>) target_semaphore(%arg11 : memref<!tpu.dma_semaphore, #tpu.memory_space<semaphore_mem>>)
      %mul3A_443 = arith.constant 8 : i32
      %mul3A_444 = arith.muli %add3A_351, %mul3A_443 : i32
      %add3A_445 = arith.constant 3 : i32
      %add3A_446 = arith.addi %mul3A_444, %add3A_445 : i32
      %mul3A_447 = arith.constant 32 : i32
      %mul3A_448 = arith.muli %add3A_446, %mul3A_447 : i32
      %add3A_449 = arith.addi %mul3A_448, %add3A : i32
      %mul3A_450 = arith.constant 8 : i32
      %mul3A_451 = arith.muli %add3A_449, %mul3A_450 : i32
      %dma_start3A_452 = arith.constant 0 : i32
      %dma_start3A_453 = arith.constant 24 : i32
      %dma_start3A_454 = arith.constant 0 : i32
      %dma_start3A_455 = tpu.memref_slice %arg8[%dma_start3A_452, %dma_start3A_453, %dma_start3A_454] : memref<2x64x133xf32, #tpu.memory_space<vmem>> -> memref<1x8x128xf32, #tpu.memory_space<vmem>>
      %dma_start3A_456 = tpu.memref_squeeze %dma_start3A_455 : memref<1x8x128xf32, #tpu.memory_space<vmem>> -> memref<8x128xf32, #tpu.memory_space<vmem>>
      %dma_start3A_457 = arith.constant 0 : i32
      %dma_start3A_458 = tpu.memref_slice %arg4[%mul3A_451, %dma_start3A_457] : memref<409600x128xf32, #tpu.memory_space<hbm>> -> memref<8x128xf32, #tpu.memory_space<hbm>>
      %dma_start3A_459 = arith.constant 0 : i32
      %dma_start3A_460 = tpu.memref_slice %arg4[%mul3A_451, %dma_start3A_459] : memref<409600x128xf32, #tpu.memory_space<hbm>> -> memref<8x128xf32, #tpu.memory_space<hbm>>
      %dma_start3A_461 = arith.constant 24 : i32
      %dma_start3A_462 = arith.constant 0 : i32
      %dma_start3A_463 = tpu.memref_slice %arg8[%dma_start3A_452, %dma_start3A_461, %dma_start3A_462] : memref<2x64x133xf32, #tpu.memory_space<vmem>> -> memref<1x8x128xf32, #tpu.memory_space<vmem>>
      %dma_start3A_464 = tpu.memref_squeeze %dma_start3A_463 : memref<1x8x128xf32, #tpu.memory_space<vmem>> -> memref<8x128xf32, #tpu.memory_space<vmem>>
      tpu.enqueue_dma source(%dma_start3A_464 : memref<8x128xf32, #tpu.memory_space<vmem>>) target(%dma_start3A_460 : memref<8x128xf32, #tpu.memory_space<hbm>>) target_semaphore(%arg11 : memref<!tpu.dma_semaphore, #tpu.memory_space<semaphore_mem>>)
      %mul3A_465 = arith.constant 8 : i32
      %mul3A_466 = arith.muli %add3A_351, %mul3A_465 : i32
      %add3A_467 = arith.constant 4 : i32
      %add3A_468 = arith.addi %mul3A_466, %add3A_467 : i32
      %mul3A_469 = arith.constant 32 : i32
      %mul3A_470 = arith.muli %add3A_468, %mul3A_469 : i32
      %add3A_471 = arith.addi %mul3A_470, %add3A : i32
      %mul3A_472 = arith.constant 8 : i32
      %mul3A_473 = arith.muli %add3A_471, %mul3A_472 : i32
      %dma_start3A_474 = arith.constant 0 : i32
      %dma_start3A_475 = arith.constant 32 : i32
      %dma_start3A_476 = arith.constant 0 : i32
      %dma_start3A_477 = tpu.memref_slice %arg8[%dma_start3A_474, %dma_start3A_475, %dma_start3A_476] : memref<2x64x133xf32, #tpu.memory_space<vmem>> -> memref<1x8x128xf32, #tpu.memory_space<vmem>>
      %dma_start3A_478 = tpu.memref_squeeze %dma_start3A_477 : memref<1x8x128xf32, #tpu.memory_space<vmem>> -> memref<8x128xf32, #tpu.memory_space<vmem>>
      %dma_start3A_479 = arith.constant 0 : i32
      %dma_start3A_480 = tpu.memref_slice %arg4[%mul3A_473, %dma_start3A_479] : memref<409600x128xf32, #tpu.memory_space<hbm>> -> memref<8x128xf32, #tpu.memory_space<hbm>>
      %dma_start3A_481 = arith.constant 0 : i32
      %dma_start3A_482 = tpu.memref_slice %arg4[%mul3A_473, %dma_start3A_481] : memref<409600x128xf32, #tpu.memory_space<hbm>> -> memref<8x128xf32, #tpu.memory_space<hbm>>
      %dma_start3A_483 = arith.constant 32 : i32
      %dma_start3A_484 = arith.constant 0 : i32
      %dma_start3A_485 = tpu.memref_slice %arg8[%dma_start3A_474, %dma_start3A_483, %dma_start3A_484] : memref<2x64x133xf32, #tpu.memory_space<vmem>> -> memref<1x8x128xf32, #tpu.memory_space<vmem>>
      %dma_start3A_486 = tpu.memref_squeeze %dma_start3A_485 : memref<1x8x128xf32, #tpu.memory_space<vmem>> -> memref<8x128xf32, #tpu.memory_space<vmem>>
      tpu.enqueue_dma source(%dma_start3A_486 : memref<8x128xf32, #tpu.memory_space<vmem>>) target(%dma_start3A_482 : memref<8x128xf32, #tpu.memory_space<hbm>>) target_semaphore(%arg11 : memref<!tpu.dma_semaphore, #tpu.memory_space<semaphore_mem>>)
      %mul3A_487 = arith.constant 8 : i32
      %mul3A_488 = arith.muli %add3A_351, %mul3A_487 : i32
      %add3A_489 = arith.constant 5 : i32
      %add3A_490 = arith.addi %mul3A_488, %add3A_489 : i32
      %mul3A_491 = arith.constant 32 : i32
      %mul3A_492 = arith.muli %add3A_490, %mul3A_491 : i32
      %add3A_493 = arith.addi %mul3A_492, %add3A : i32
      %mul3A_494 = arith.constant 8 : i32
      %mul3A_495 = arith.muli %add3A_493, %mul3A_494 : i32
      %dma_start3A_496 = arith.constant 0 : i32
      %dma_start3A_497 = arith.constant 40 : i32
      %dma_start3A_498 = arith.constant 0 : i32
      %dma_start3A_499 = tpu.memref_slice %arg8[%dma_start3A_496, %dma_start3A_497, %dma_start3A_498] : memref<2x64x133xf32, #tpu.memory_space<vmem>> -> memref<1x8x128xf32, #tpu.memory_space<vmem>>
      %dma_start3A_500 = tpu.memref_squeeze %dma_start3A_499 : memref<1x8x128xf32, #tpu.memory_space<vmem>> -> memref<8x128xf32, #tpu.memory_space<vmem>>
      %dma_start3A_501 = arith.constant 0 : i32
      %dma_start3A_502 = tpu.memref_slice %arg4[%mul3A_495, %dma_start3A_501] : memref<409600x128xf32, #tpu.memory_space<hbm>> -> memref<8x128xf32, #tpu.memory_space<hbm>>
      %dma_start3A_503 = arith.constant 0 : i32
      %dma_start3A_504 = tpu.memref_slice %arg4[%mul3A_495, %dma_start3A_503] : memref<409600x128xf32, #tpu.memory_space<hbm>> -> memref<8x128xf32, #tpu.memory_space<hbm>>
      %dma_start3A_505 = arith.constant 40 : i32
      %dma_start3A_506 = arith.constant 0 : i32
      %dma_start3A_507 = tpu.memref_slice %arg8[%dma_start3A_496, %dma_start3A_505, %dma_start3A_506] : memref<2x64x133xf32, #tpu.memory_space<vmem>> -> memref<1x8x128xf32, #tpu.memory_space<vmem>>
      %dma_start3A_508 = tpu.memref_squeeze %dma_start3A_507 : memref<1x8x128xf32, #tpu.memory_space<vmem>> -> memref<8x128xf32, #tpu.memory_space<vmem>>
      tpu.enqueue_dma source(%dma_start3A_508 : memref<8x128xf32, #tpu.memory_space<vmem>>) target(%dma_start3A_504 : memref<8x128xf32, #tpu.memory_space<hbm>>) target_semaphore(%arg11 : memref<!tpu.dma_semaphore, #tpu.memory_space<semaphore_mem>>)
      %mul3A_509 = arith.constant 8 : i32
      %mul3A_510 = arith.muli %add3A_351, %mul3A_509 : i32
      %add3A_511 = arith.constant 6 : i32
      %add3A_512 = arith.addi %mul3A_510, %add3A_511 : i32
      %mul3A_513 = arith.constant 32 : i32
      %mul3A_514 = arith.muli %add3A_512, %mul3A_513 : i32
      %add3A_515 = arith.addi %mul3A_514, %add3A : i32
      %mul3A_516 = arith.constant 8 : i32
      %mul3A_517 = arith.muli %add3A_515, %mul3A_516 : i32
      %dma_start3A_518 = arith.constant 0 : i32
      %dma_start3A_519 = arith.constant 48 : i32
      %dma_start3A_520 = arith.constant 0 : i32
      %dma_start3A_521 = tpu.memref_slice %arg8[%dma_start3A_518, %dma_start3A_519, %dma_start3A_520] : memref<2x64x133xf32, #tpu.memory_space<vmem>> -> memref<1x8x128xf32, #tpu.memory_space<vmem>>
      %dma_start3A_522 = tpu.memref_squeeze %dma_start3A_521 : memref<1x8x128xf32, #tpu.memory_space<vmem>> -> memref<8x128xf32, #tpu.memory_space<vmem>>
      %dma_start3A_523 = arith.constant 0 : i32
      %dma_start3A_524 = tpu.memref_slice %arg4[%mul3A_517, %dma_start3A_523] : memref<409600x128xf32, #tpu.memory_space<hbm>> -> memref<8x128xf32, #tpu.memory_space<hbm>>
      %dma_start3A_525 = arith.constant 0 : i32
      %dma_start3A_526 = tpu.memref_slice %arg4[%mul3A_517, %dma_start3A_525] : memref<409600x128xf32, #tpu.memory_space<hbm>> -> memref<8x128xf32, #tpu.memory_space<hbm>>
      %dma_start3A_527 = arith.constant 48 : i32
      %dma_start3A_528 = arith.constant 0 : i32
      %dma_start3A_529 = tpu.memref_slice %arg8[%dma_start3A_518, %dma_start3A_527, %dma_start3A_528] : memref<2x64x133xf32, #tpu.memory_space<vmem>> -> memref<1x8x128xf32, #tpu.memory_space<vmem>>
      %dma_start3A_530 = tpu.memref_squeeze %dma_start3A_529 : memref<1x8x128xf32, #tpu.memory_space<vmem>> -> memref<8x128xf32, #tpu.memory_space<vmem>>
      tpu.enqueue_dma source(%dma_start3A_530 : memref<8x128xf32, #tpu.memory_space<vmem>>) target(%dma_start3A_526 : memref<8x128xf32, #tpu.memory_space<hbm>>) target_semaphore(%arg11 : memref<!tpu.dma_semaphore, #tpu.memory_space<semaphore_mem>>)
      %mul3A_531 = arith.constant 8 : i32
      %mul3A_532 = arith.muli %add3A_351, %mul3A_531 : i32
      %add3A_533 = arith.constant 7 : i32
      %add3A_534 = arith.addi %mul3A_532, %add3A_533 : i32
      %mul3A_535 = arith.constant 32 : i32
      %mul3A_536 = arith.muli %add3A_534, %mul3A_535 : i32
      %add3A_537 = arith.addi %mul3A_536, %add3A : i32
      %mul3A_538 = arith.constant 8 : i32
      %mul3A_539 = arith.muli %add3A_537, %mul3A_538 : i32
      %dma_start3A_540 = arith.constant 0 : i32
      %dma_start3A_541 = arith.constant 56 : i32
      %dma_start3A_542 = arith.constant 0 : i32
      %dma_start3A_543 = tpu.memref_slice %arg8[%dma_start3A_540, %dma_start3A_541, %dma_start3A_542] : memref<2x64x133xf32, #tpu.memory_space<vmem>> -> memref<1x8x128xf32, #tpu.memory_space<vmem>>
      %dma_start3A_544 = tpu.memref_squeeze %dma_start3A_543 : memref<1x8x128xf32, #tpu.memory_space<vmem>> -> memref<8x128xf32, #tpu.memory_space<vmem>>
      %dma_start3A_545 = arith.constant 0 : i32
      %dma_start3A_546 = tpu.memref_slice %arg4[%mul3A_539, %dma_start3A_545] : memref<409600x128xf32, #tpu.memory_space<hbm>> -> memref<8x128xf32, #tpu.memory_space<hbm>>
      %dma_start3A_547 = arith.constant 0 : i32
      %dma_start3A_548 = tpu.memref_slice %arg4[%mul3A_539, %dma_start3A_547] : memref<409600x128xf32, #tpu.memory_space<hbm>> -> memref<8x128xf32, #tpu.memory_space<hbm>>
      %dma_start3A_549 = arith.constant 56 : i32
      %dma_start3A_550 = arith.constant 0 : i32
      %dma_start3A_551 = tpu.memref_slice %arg8[%dma_start3A_540, %dma_start3A_549, %dma_start3A_550] : memref<2x64x133xf32, #tpu.memory_space<vmem>> -> memref<1x8x128xf32, #tpu.memory_space<vmem>>
      %dma_start3A_552 = tpu.memref_squeeze %dma_start3A_551 : memref<1x8x128xf32, #tpu.memory_space<vmem>> -> memref<8x128xf32, #tpu.memory_space<vmem>>
      tpu.enqueue_dma source(%dma_start3A_552 : memref<8x128xf32, #tpu.memory_space<vmem>>) target(%dma_start3A_548 : memref<8x128xf32, #tpu.memory_space<hbm>>) target_semaphore(%arg11 : memref<!tpu.dma_semaphore, #tpu.memory_space<semaphore_mem>>)
      %mul3A_553 = arith.constant 2 : i32
      %mul3A_554 = arith.muli %scan3A_347, %mul3A_553 : i32
      %add3A_555 = arith.constant 1 : i32
      %add3A_556 = arith.addi %mul3A_554, %add3A_555 : i32
      %dma_wait3A_557 = arith.constant 1 : i32
      %dma_wait3A_558 = arith.constant 0 : i32
      %dma_wait3A_559 = arith.constant 0 : i32
      %dma_wait3A_560 = tpu.memref_slice %arg7[%dma_wait3A_557, %dma_wait3A_558, %dma_wait3A_559] : memref<2x128x64xf32, #tpu.memory_space<vmem>> -> memref<1x128x64xf32, #tpu.memory_space<vmem>>
      %dma_wait3A_561 = tpu.memref_squeeze %dma_wait3A_560 : memref<1x128x64xf32, #tpu.memory_space<vmem>> -> memref<128x64xf32, #tpu.memory_space<vmem>>
      %dma_wait3A_562 = arith.constant 0 : i32
      %dma_wait3A_563 = tpu.memref_slice %arg6[%add3A_556, %dma_wait3A_562] : memref<200x133xi32, #tpu.memory_space<vmem>> -> memref<1x128xi32, #tpu.memory_space<vmem>>
      %dma_wait3A_564 = tpu.memref_squeeze %dma_wait3A_563 : memref<1x128xi32, #tpu.memory_space<vmem>> -> memref<128xi32, #tpu.memory_space<vmem>>
      %dma_wait3A_565 = arith.constant 0 : i32
      %dma_wait3A_566 = arith.constant 0 : i32
      %dma_wait3A_567 = tpu.memref_slice %arg3[%dma_wait3A_565, %dma_wait3A_566] : memref<1000000x64xf32, #tpu.memory_space<hbm>> -> memref<1000000x64xf32, #tpu.memory_space<hbm>>
      tpu.wait_indirect_dma semaphore(%arg10 : memref<!tpu.dma_semaphore, #tpu.memory_space<semaphore_mem>>) src(%dma_wait3A_567 : memref<1000000x64xf32, #tpu.memory_space<hbm>>) dst(%dma_wait3A_561 : memref<128x64xf32, #tpu.memory_space<vmem>>)
      %add3A_568 = arith.constant 1 : i32
      %add3A_569 = arith.addi %add3A_556, %add3A_568 : i32
      %lt3A_570 = arith.constant 200 : i32
      %lt3A_571 = arith.cmpi slt, %add3A_569, %lt3A_570 : i32
      %convert_element_type3A_572 = arith.extui %lt3A_571 : i1 to i32
      %cond3A_573 = arith.constant 0 : i32
      %cond3A_574 = arith.cmpi ne, %convert_element_type3A_572, %cond3A_573 : i32
      scf.if %cond3A_574 {
        %add3A_762 = arith.constant 1 : i32
        %add3A_763 = arith.addi %add3A_556, %add3A_762 : i32
        %dma_start3A_764 = arith.constant 0 : i32
        %dma_start3A_765 = arith.constant 0 : i32
        %dma_start3A_766 = arith.constant 0 : i32
        %dma_start3A_767 = tpu.memref_slice %arg7[%dma_start3A_764, %dma_start3A_765, %dma_start3A_766] : memref<2x128x64xf32, #tpu.memory_space<vmem>> -> memref<1x128x64xf32, #tpu.memory_space<vmem>>
        %dma_start3A_768 = tpu.memref_squeeze %dma_start3A_767 : memref<1x128x64xf32, #tpu.memory_space<vmem>> -> memref<128x64xf32, #tpu.memory_space<vmem>>
        %dma_start3A_769 = arith.constant 0 : i32
        %dma_start3A_770 = tpu.memref_slice %arg6[%add3A_763, %dma_start3A_769] : memref<200x133xi32, #tpu.memory_space<vmem>> -> memref<1x128xi32, #tpu.memory_space<vmem>>
        %dma_start3A_771 = tpu.memref_squeeze %dma_start3A_770 : memref<1x128xi32, #tpu.memory_space<vmem>> -> memref<128xi32, #tpu.memory_space<vmem>>
        %dma_start3A_772 = arith.constant 0 : i32
        %dma_start3A_773 = arith.constant 0 : i32
        %dma_start3A_774 = tpu.memref_slice %arg3[%dma_start3A_772, %dma_start3A_773] : memref<1000000x64xf32, #tpu.memory_space<hbm>> -> memref<1000000x64xf32, #tpu.memory_space<hbm>>
        tpu.enqueue_indirect_dma source(%dma_start3A_774 : memref<1000000x64xf32, #tpu.memory_space<hbm>>) target(%dma_start3A_768 : memref<128x64xf32, #tpu.memory_space<vmem>>) offsets(%dma_start3A_771 : memref<128xi32, #tpu.memory_space<vmem>>) semaphore(%arg9 : memref<!tpu.dma_semaphore, #tpu.memory_space<semaphore_mem>>)
      } else {
      }
      %ge3A_575 = arith.constant 2 : i32
      %ge3A_576 = arith.cmpi sge, %add3A_556, %ge3A_575 : i32
      %convert_element_type3A_577 = arith.extui %ge3A_576 : i1 to i32
      %cond3A_578 = arith.constant 0 : i32
      %cond3A_579 = arith.cmpi ne, %convert_element_type3A_577, %cond3A_578 : i32
      scf.if %cond3A_579 {
        %sub3A = arith.constant 2 : i32
        %sub3A_762 = arith.subi %add3A_556, %sub3A : i32
        %mul3A_763 = arith.constant 8 : i32
        %mul3A_764 = arith.muli %sub3A_762, %mul3A_763 : i32
        %add3A_765 = arith.constant 0 : i32
        %add3A_766 = arith.addi %mul3A_764, %add3A_765 : i32
        %mul3A_767 = arith.constant 32 : i32
        %mul3A_768 = arith.muli %add3A_766, %mul3A_767 : i32
        %add3A_769 = arith.addi %mul3A_768, %add3A : i32
        %mul3A_770 = arith.constant 8 : i32
        %mul3A_771 = arith.muli %add3A_769, %mul3A_770 : i32
        %dma_wait3A_772 = arith.constant 1 : i32
        %dma_wait3A_773 = arith.constant 0 : i32
        %dma_wait3A_774 = arith.constant 0 : i32
        %dma_wait3A_775 = tpu.memref_slice %arg8[%dma_wait3A_772, %dma_wait3A_773, %dma_wait3A_774] : memref<2x64x133xf32, #tpu.memory_space<vmem>> -> memref<1x8x128xf32, #tpu.memory_space<vmem>>
        %dma_wait3A_776 = tpu.memref_squeeze %dma_wait3A_775 : memref<1x8x128xf32, #tpu.memory_space<vmem>> -> memref<8x128xf32, #tpu.memory_space<vmem>>
        %dma_wait3A_777 = arith.constant 0 : i32
        %dma_wait3A_778 = tpu.memref_slice %arg4[%mul3A_771, %dma_wait3A_777] : memref<409600x128xf32, #tpu.memory_space<hbm>> -> memref<8x128xf32, #tpu.memory_space<hbm>>
        %dma_wait3A_779 = arith.constant 0 : i32
        %dma_wait3A_780 = tpu.memref_slice %arg4[%mul3A_771, %dma_wait3A_779] : memref<409600x128xf32, #tpu.memory_space<hbm>> -> memref<8x128xf32, #tpu.memory_space<hbm>>
        %dma_wait3A_781 = arith.constant 0 : i32
        %dma_wait3A_782 = arith.constant 0 : i32
        %dma_wait3A_783 = tpu.memref_slice %arg8[%dma_wait3A_772, %dma_wait3A_781, %dma_wait3A_782] : memref<2x64x133xf32, #tpu.memory_space<vmem>> -> memref<1x8x128xf32, #tpu.memory_space<vmem>>
        %dma_wait3A_784 = tpu.memref_squeeze %dma_wait3A_783 : memref<1x8x128xf32, #tpu.memory_space<vmem>> -> memref<8x128xf32, #tpu.memory_space<vmem>>
        tpu.wait_dma2 semaphore(%arg12 : memref<!tpu.dma_semaphore, #tpu.memory_space<semaphore_mem>>) src(%dma_wait3A_784 : memref<8x128xf32, #tpu.memory_space<vmem>>) dst(%dma_wait3A_780 : memref<8x128xf32, #tpu.memory_space<hbm>>)
        %sub3A_785 = arith.constant 2 : i32
        %sub3A_786 = arith.subi %add3A_556, %sub3A_785 : i32
        %mul3A_787 = arith.constant 8 : i32
        %mul3A_788 = arith.muli %sub3A_786, %mul3A_787 : i32
        %add3A_789 = arith.constant 1 : i32
        %add3A_790 = arith.addi %mul3A_788, %add3A_789 : i32
        %mul3A_791 = arith.constant 32 : i32
        %mul3A_792 = arith.muli %add3A_790, %mul3A_791 : i32
        %add3A_793 = arith.addi %mul3A_792, %add3A : i32
        %mul3A_794 = arith.constant 8 : i32
        %mul3A_795 = arith.muli %add3A_793, %mul3A_794 : i32
        %dma_wait3A_796 = arith.constant 1 : i32
        %dma_wait3A_797 = arith.constant 8 : i32
        %dma_wait3A_798 = arith.constant 0 : i32
        %dma_wait3A_799 = tpu.memref_slice %arg8[%dma_wait3A_796, %dma_wait3A_797, %dma_wait3A_798] : memref<2x64x133xf32, #tpu.memory_space<vmem>> -> memref<1x8x128xf32, #tpu.memory_space<vmem>>
        %dma_wait3A_800 = tpu.memref_squeeze %dma_wait3A_799 : memref<1x8x128xf32, #tpu.memory_space<vmem>> -> memref<8x128xf32, #tpu.memory_space<vmem>>
        %dma_wait3A_801 = arith.constant 0 : i32
        %dma_wait3A_802 = tpu.memref_slice %arg4[%mul3A_795, %dma_wait3A_801] : memref<409600x128xf32, #tpu.memory_space<hbm>> -> memref<8x128xf32, #tpu.memory_space<hbm>>
        %dma_wait3A_803 = arith.constant 0 : i32
        %dma_wait3A_804 = tpu.memref_slice %arg4[%mul3A_795, %dma_wait3A_803] : memref<409600x128xf32, #tpu.memory_space<hbm>> -> memref<8x128xf32, #tpu.memory_space<hbm>>
        %dma_wait3A_805 = arith.constant 8 : i32
        %dma_wait3A_806 = arith.constant 0 : i32
        %dma_wait3A_807 = tpu.memref_slice %arg8[%dma_wait3A_796, %dma_wait3A_805, %dma_wait3A_806] : memref<2x64x133xf32, #tpu.memory_space<vmem>> -> memref<1x8x128xf32, #tpu.memory_space<vmem>>
        %dma_wait3A_808 = tpu.memref_squeeze %dma_wait3A_807 : memref<1x8x128xf32, #tpu.memory_space<vmem>> -> memref<8x128xf32, #tpu.memory_space<vmem>>
        tpu.wait_dma2 semaphore(%arg12 : memref<!tpu.dma_semaphore, #tpu.memory_space<semaphore_mem>>) src(%dma_wait3A_808 : memref<8x128xf32, #tpu.memory_space<vmem>>) dst(%dma_wait3A_804 : memref<8x128xf32, #tpu.memory_space<hbm>>)
        %sub3A_809 = arith.constant 2 : i32
        %sub3A_810 = arith.subi %add3A_556, %sub3A_809 : i32
        %mul3A_811 = arith.constant 8 : i32
        %mul3A_812 = arith.muli %sub3A_810, %mul3A_811 : i32
        %add3A_813 = arith.constant 2 : i32
        %add3A_814 = arith.addi %mul3A_812, %add3A_813 : i32
        %mul3A_815 = arith.constant 32 : i32
        %mul3A_816 = arith.muli %add3A_814, %mul3A_815 : i32
        %add3A_817 = arith.addi %mul3A_816, %add3A : i32
        %mul3A_818 = arith.constant 8 : i32
        %mul3A_819 = arith.muli %add3A_817, %mul3A_818 : i32
        %dma_wait3A_820 = arith.constant 1 : i32
        %dma_wait3A_821 = arith.constant 16 : i32
        %dma_wait3A_822 = arith.constant 0 : i32
        %dma_wait3A_823 = tpu.memref_slice %arg8[%dma_wait3A_820, %dma_wait3A_821, %dma_wait3A_822] : memref<2x64x133xf32, #tpu.memory_space<vmem>> -> memref<1x8x128xf32, #tpu.memory_space<vmem>>
        %dma_wait3A_824 = tpu.memref_squeeze %dma_wait3A_823 : memref<1x8x128xf32, #tpu.memory_space<vmem>> -> memref<8x128xf32, #tpu.memory_space<vmem>>
        %dma_wait3A_825 = arith.constant 0 : i32
        %dma_wait3A_826 = tpu.memref_slice %arg4[%mul3A_819, %dma_wait3A_825] : memref<409600x128xf32, #tpu.memory_space<hbm>> -> memref<8x128xf32, #tpu.memory_space<hbm>>
        %dma_wait3A_827 = arith.constant 0 : i32
        %dma_wait3A_828 = tpu.memref_slice %arg4[%mul3A_819, %dma_wait3A_827] : memref<409600x128xf32, #tpu.memory_space<hbm>> -> memref<8x128xf32, #tpu.memory_space<hbm>>
        %dma_wait3A_829 = arith.constant 16 : i32
        %dma_wait3A_830 = arith.constant 0 : i32
        %dma_wait3A_831 = tpu.memref_slice %arg8[%dma_wait3A_820, %dma_wait3A_829, %dma_wait3A_830] : memref<2x64x133xf32, #tpu.memory_space<vmem>> -> memref<1x8x128xf32, #tpu.memory_space<vmem>>
        %dma_wait3A_832 = tpu.memref_squeeze %dma_wait3A_831 : memref<1x8x128xf32, #tpu.memory_space<vmem>> -> memref<8x128xf32, #tpu.memory_space<vmem>>
        tpu.wait_dma2 semaphore(%arg12 : memref<!tpu.dma_semaphore, #tpu.memory_space<semaphore_mem>>) src(%dma_wait3A_832 : memref<8x128xf32, #tpu.memory_space<vmem>>) dst(%dma_wait3A_828 : memref<8x128xf32, #tpu.memory_space<hbm>>)
        %sub3A_833 = arith.constant 2 : i32
        %sub3A_834 = arith.subi %add3A_556, %sub3A_833 : i32
        %mul3A_835 = arith.constant 8 : i32
        %mul3A_836 = arith.muli %sub3A_834, %mul3A_835 : i32
        %add3A_837 = arith.constant 3 : i32
        %add3A_838 = arith.addi %mul3A_836, %add3A_837 : i32
        %mul3A_839 = arith.constant 32 : i32
        %mul3A_840 = arith.muli %add3A_838, %mul3A_839 : i32
        %add3A_841 = arith.addi %mul3A_840, %add3A : i32
        %mul3A_842 = arith.constant 8 : i32
        %mul3A_843 = arith.muli %add3A_841, %mul3A_842 : i32
        %dma_wait3A_844 = arith.constant 1 : i32
        %dma_wait3A_845 = arith.constant 24 : i32
        %dma_wait3A_846 = arith.constant 0 : i32
        %dma_wait3A_847 = tpu.memref_slice %arg8[%dma_wait3A_844, %dma_wait3A_845, %dma_wait3A_846] : memref<2x64x133xf32, #tpu.memory_space<vmem>> -> memref<1x8x128xf32, #tpu.memory_space<vmem>>
        %dma_wait3A_848 = tpu.memref_squeeze %dma_wait3A_847 : memref<1x8x128xf32, #tpu.memory_space<vmem>> -> memref<8x128xf32, #tpu.memory_space<vmem>>
        %dma_wait3A_849 = arith.constant 0 : i32
        %dma_wait3A_850 = tpu.memref_slice %arg4[%mul3A_843, %dma_wait3A_849] : memref<409600x128xf32, #tpu.memory_space<hbm>> -> memref<8x128xf32, #tpu.memory_space<hbm>>
        %dma_wait3A_851 = arith.constant 0 : i32
        %dma_wait3A_852 = tpu.memref_slice %arg4[%mul3A_843, %dma_wait3A_851] : memref<409600x128xf32, #tpu.memory_space<hbm>> -> memref<8x128xf32, #tpu.memory_space<hbm>>
        %dma_wait3A_853 = arith.constant 24 : i32
        %dma_wait3A_854 = arith.constant 0 : i32
        %dma_wait3A_855 = tpu.memref_slice %arg8[%dma_wait3A_844, %dma_wait3A_853, %dma_wait3A_854] : memref<2x64x133xf32, #tpu.memory_space<vmem>> -> memref<1x8x128xf32, #tpu.memory_space<vmem>>
        %dma_wait3A_856 = tpu.memref_squeeze %dma_wait3A_855 : memref<1x8x128xf32, #tpu.memory_space<vmem>> -> memref<8x128xf32, #tpu.memory_space<vmem>>
        tpu.wait_dma2 semaphore(%arg12 : memref<!tpu.dma_semaphore, #tpu.memory_space<semaphore_mem>>) src(%dma_wait3A_856 : memref<8x128xf32, #tpu.memory_space<vmem>>) dst(%dma_wait3A_852 : memref<8x128xf32, #tpu.memory_space<hbm>>)
        %sub3A_857 = arith.constant 2 : i32
        %sub3A_858 = arith.subi %add3A_556, %sub3A_857 : i32
        %mul3A_859 = arith.constant 8 : i32
        %mul3A_860 = arith.muli %sub3A_858, %mul3A_859 : i32
        %add3A_861 = arith.constant 4 : i32
        %add3A_862 = arith.addi %mul3A_860, %add3A_861 : i32
        %mul3A_863 = arith.constant 32 : i32
        %mul3A_864 = arith.muli %add3A_862, %mul3A_863 : i32
        %add3A_865 = arith.addi %mul3A_864, %add3A : i32
        %mul3A_866 = arith.constant 8 : i32
        %mul3A_867 = arith.muli %add3A_865, %mul3A_866 : i32
        %dma_wait3A_868 = arith.constant 1 : i32
        %dma_wait3A_869 = arith.constant 32 : i32
        %dma_wait3A_870 = arith.constant 0 : i32
        %dma_wait3A_871 = tpu.memref_slice %arg8[%dma_wait3A_868, %dma_wait3A_869, %dma_wait3A_870] : memref<2x64x133xf32, #tpu.memory_space<vmem>> -> memref<1x8x128xf32, #tpu.memory_space<vmem>>
        %dma_wait3A_872 = tpu.memref_squeeze %dma_wait3A_871 : memref<1x8x128xf32, #tpu.memory_space<vmem>> -> memref<8x128xf32, #tpu.memory_space<vmem>>
        %dma_wait3A_873 = arith.constant 0 : i32
        %dma_wait3A_874 = tpu.memref_slice %arg4[%mul3A_867, %dma_wait3A_873] : memref<409600x128xf32, #tpu.memory_space<hbm>> -> memref<8x128xf32, #tpu.memory_space<hbm>>
        %dma_wait3A_875 = arith.constant 0 : i32
        %dma_wait3A_876 = tpu.memref_slice %arg4[%mul3A_867, %dma_wait3A_875] : memref<409600x128xf32, #tpu.memory_space<hbm>> -> memref<8x128xf32, #tpu.memory_space<hbm>>
        %dma_wait3A_877 = arith.constant 32 : i32
        %dma_wait3A_878 = arith.constant 0 : i32
        %dma_wait3A_879 = tpu.memref_slice %arg8[%dma_wait3A_868, %dma_wait3A_877, %dma_wait3A_878] : memref<2x64x133xf32, #tpu.memory_space<vmem>> -> memref<1x8x128xf32, #tpu.memory_space<vmem>>
        %dma_wait3A_880 = tpu.memref_squeeze %dma_wait3A_879 : memref<1x8x128xf32, #tpu.memory_space<vmem>> -> memref<8x128xf32, #tpu.memory_space<vmem>>
        tpu.wait_dma2 semaphore(%arg12 : memref<!tpu.dma_semaphore, #tpu.memory_space<semaphore_mem>>) src(%dma_wait3A_880 : memref<8x128xf32, #tpu.memory_space<vmem>>) dst(%dma_wait3A_876 : memref<8x128xf32, #tpu.memory_space<hbm>>)
        %sub3A_881 = arith.constant 2 : i32
        %sub3A_882 = arith.subi %add3A_556, %sub3A_881 : i32
        %mul3A_883 = arith.constant 8 : i32
        %mul3A_884 = arith.muli %sub3A_882, %mul3A_883 : i32
        %add3A_885 = arith.constant 5 : i32
        %add3A_886 = arith.addi %mul3A_884, %add3A_885 : i32
        %mul3A_887 = arith.constant 32 : i32
        %mul3A_888 = arith.muli %add3A_886, %mul3A_887 : i32
        %add3A_889 = arith.addi %mul3A_888, %add3A : i32
        %mul3A_890 = arith.constant 8 : i32
        %mul3A_891 = arith.muli %add3A_889, %mul3A_890 : i32
        %dma_wait3A_892 = arith.constant 1 : i32
        %dma_wait3A_893 = arith.constant 40 : i32
        %dma_wait3A_894 = arith.constant 0 : i32
        %dma_wait3A_895 = tpu.memref_slice %arg8[%dma_wait3A_892, %dma_wait3A_893, %dma_wait3A_894] : memref<2x64x133xf32, #tpu.memory_space<vmem>> -> memref<1x8x128xf32, #tpu.memory_space<vmem>>
        %dma_wait3A_896 = tpu.memref_squeeze %dma_wait3A_895 : memref<1x8x128xf32, #tpu.memory_space<vmem>> -> memref<8x128xf32, #tpu.memory_space<vmem>>
        %dma_wait3A_897 = arith.constant 0 : i32
        %dma_wait3A_898 = tpu.memref_slice %arg4[%mul3A_891, %dma_wait3A_897] : memref<409600x128xf32, #tpu.memory_space<hbm>> -> memref<8x128xf32, #tpu.memory_space<hbm>>
        %dma_wait3A_899 = arith.constant 0 : i32
        %dma_wait3A_900 = tpu.memref_slice %arg4[%mul3A_891, %dma_wait3A_899] : memref<409600x128xf32, #tpu.memory_space<hbm>> -> memref<8x128xf32, #tpu.memory_space<hbm>>
        %dma_wait3A_901 = arith.constant 40 : i32
        %dma_wait3A_902 = arith.constant 0 : i32
        %dma_wait3A_903 = tpu.memref_slice %arg8[%dma_wait3A_892, %dma_wait3A_901, %dma_wait3A_902] : memref<2x64x133xf32, #tpu.memory_space<vmem>> -> memref<1x8x128xf32, #tpu.memory_space<vmem>>
        %dma_wait3A_904 = tpu.memref_squeeze %dma_wait3A_903 : memref<1x8x128xf32, #tpu.memory_space<vmem>> -> memref<8x128xf32, #tpu.memory_space<vmem>>
        tpu.wait_dma2 semaphore(%arg12 : memref<!tpu.dma_semaphore, #tpu.memory_space<semaphore_mem>>) src(%dma_wait3A_904 : memref<8x128xf32, #tpu.memory_space<vmem>>) dst(%dma_wait3A_900 : memref<8x128xf32, #tpu.memory_space<hbm>>)
        %sub3A_905 = arith.constant 2 : i32
        %sub3A_906 = arith.subi %add3A_556, %sub3A_905 : i32
        %mul3A_907 = arith.constant 8 : i32
        %mul3A_908 = arith.muli %sub3A_906, %mul3A_907 : i32
        %add3A_909 = arith.constant 6 : i32
        %add3A_910 = arith.addi %mul3A_908, %add3A_909 : i32
        %mul3A_911 = arith.constant 32 : i32
        %mul3A_912 = arith.muli %add3A_910, %mul3A_911 : i32
        %add3A_913 = arith.addi %mul3A_912, %add3A : i32
        %mul3A_914 = arith.constant 8 : i32
        %mul3A_915 = arith.muli %add3A_913, %mul3A_914 : i32
        %dma_wait3A_916 = arith.constant 1 : i32
        %dma_wait3A_917 = arith.constant 48 : i32
        %dma_wait3A_918 = arith.constant 0 : i32
        %dma_wait3A_919 = tpu.memref_slice %arg8[%dma_wait3A_916, %dma_wait3A_917, %dma_wait3A_918] : memref<2x64x133xf32, #tpu.memory_space<vmem>> -> memref<1x8x128xf32, #tpu.memory_space<vmem>>
        %dma_wait3A_920 = tpu.memref_squeeze %dma_wait3A_919 : memref<1x8x128xf32, #tpu.memory_space<vmem>> -> memref<8x128xf32, #tpu.memory_space<vmem>>
        %dma_wait3A_921 = arith.constant 0 : i32
        %dma_wait3A_922 = tpu.memref_slice %arg4[%mul3A_915, %dma_wait3A_921] : memref<409600x128xf32, #tpu.memory_space<hbm>> -> memref<8x128xf32, #tpu.memory_space<hbm>>
        %dma_wait3A_923 = arith.constant 0 : i32
        %dma_wait3A_924 = tpu.memref_slice %arg4[%mul3A_915, %dma_wait3A_923] : memref<409600x128xf32, #tpu.memory_space<hbm>> -> memref<8x128xf32, #tpu.memory_space<hbm>>
        %dma_wait3A_925 = arith.constant 48 : i32
        %dma_wait3A_926 = arith.constant 0 : i32
        %dma_wait3A_927 = tpu.memref_slice %arg8[%dma_wait3A_916, %dma_wait3A_925, %dma_wait3A_926] : memref<2x64x133xf32, #tpu.memory_space<vmem>> -> memref<1x8x128xf32, #tpu.memory_space<vmem>>
        %dma_wait3A_928 = tpu.memref_squeeze %dma_wait3A_927 : memref<1x8x128xf32, #tpu.memory_space<vmem>> -> memref<8x128xf32, #tpu.memory_space<vmem>>
        tpu.wait_dma2 semaphore(%arg12 : memref<!tpu.dma_semaphore, #tpu.memory_space<semaphore_mem>>) src(%dma_wait3A_928 : memref<8x128xf32, #tpu.memory_space<vmem>>) dst(%dma_wait3A_924 : memref<8x128xf32, #tpu.memory_space<hbm>>)
        %sub3A_929 = arith.constant 2 : i32
        %sub3A_930 = arith.subi %add3A_556, %sub3A_929 : i32
        %mul3A_931 = arith.constant 8 : i32
        %mul3A_932 = arith.muli %sub3A_930, %mul3A_931 : i32
        %add3A_933 = arith.constant 7 : i32
        %add3A_934 = arith.addi %mul3A_932, %add3A_933 : i32
        %mul3A_935 = arith.constant 32 : i32
        %mul3A_936 = arith.muli %add3A_934, %mul3A_935 : i32
        %add3A_937 = arith.addi %mul3A_936, %add3A : i32
        %mul3A_938 = arith.constant 8 : i32
        %mul3A_939 = arith.muli %add3A_937, %mul3A_938 : i32
        %dma_wait3A_940 = arith.constant 1 : i32
        %dma_wait3A_941 = arith.constant 56 : i32
        %dma_wait3A_942 = arith.constant 0 : i32
        %dma_wait3A_943 = tpu.memref_slice %arg8[%dma_wait3A_940, %dma_wait3A_941, %dma_wait3A_942] : memref<2x64x133xf32, #tpu.memory_space<vmem>> -> memref<1x8x128xf32, #tpu.memory_space<vmem>>
        %dma_wait3A_944 = tpu.memref_squeeze %dma_wait3A_943 : memref<1x8x128xf32, #tpu.memory_space<vmem>> -> memref<8x128xf32, #tpu.memory_space<vmem>>
        %dma_wait3A_945 = arith.constant 0 : i32
        %dma_wait3A_946 = tpu.memref_slice %arg4[%mul3A_939, %dma_wait3A_945] : memref<409600x128xf32, #tpu.memory_space<hbm>> -> memref<8x128xf32, #tpu.memory_space<hbm>>
        %dma_wait3A_947 = arith.constant 0 : i32
        %dma_wait3A_948 = tpu.memref_slice %arg4[%mul3A_939, %dma_wait3A_947] : memref<409600x128xf32, #tpu.memory_space<hbm>> -> memref<8x128xf32, #tpu.memory_space<hbm>>
        %dma_wait3A_949 = arith.constant 56 : i32
        %dma_wait3A_950 = arith.constant 0 : i32
        %dma_wait3A_951 = tpu.memref_slice %arg8[%dma_wait3A_940, %dma_wait3A_949, %dma_wait3A_950] : memref<2x64x133xf32, #tpu.memory_space<vmem>> -> memref<1x8x128xf32, #tpu.memory_space<vmem>>
        %dma_wait3A_952 = tpu.memref_squeeze %dma_wait3A_951 : memref<1x8x128xf32, #tpu.memory_space<vmem>> -> memref<8x128xf32, #tpu.memory_space<vmem>>
        tpu.wait_dma2 semaphore(%arg12 : memref<!tpu.dma_semaphore, #tpu.memory_space<semaphore_mem>>) src(%dma_wait3A_952 : memref<8x128xf32, #tpu.memory_space<vmem>>) dst(%dma_wait3A_948 : memref<8x128xf32, #tpu.memory_space<hbm>>)
      } else {
      }
      %scan3A_580 = arith.constant 0 : i32
      %scan3A_581 = arith.constant 0 : i32
      %scan3A_582 = arith.constant 64 : i32
      %scan3A_583 = arith.addi %scan3A_581, %scan3A_582 : i32
      %scan3A_584 = arith.constant 1 : i32
      scf.for %scan3A_762 = %scan3A_581 to %scan3A_583 step %scan3A_584  : i32 {
        %mul3A_763 = arith.constant 2 : i32
        %mul3A_764 = arith.muli %scan3A_762, %mul3A_763 : i32
        %add3A_765 = arith.constant 0 : i32
        %add3A_766 = arith.addi %mul3A_764, %add3A_765 : i32
        %broadcast_in_dim3A = vector.broadcast %add3A_766 : i32 to vector<16xi32>
        %get3A = arith.constant 1 : i32
        %get3A_767 = arith.index_cast %get3A : i32 to index
        %get3A_768 = arith.index_cast %add3A_766 : i32 to index
        %get3A_769 = arith.constant 0 : index
        %get3A_770 = tpu.vector_load %arg7[%get3A_767, %get3A_768, %get3A_769] {strides = array<i32>} : memref<2x128x64xf32, #tpu.memory_space<vmem>>, vector<16xf32>,
        %scatter3A = arith.constant 1 : i32
        %scatter3A_771 = arith.constant 0 : i32
        %scatter3A_772 = arith.constant 0 : i32
        %scatter3A_773 = tpu.memref_slice %arg8[%scatter3A, %scatter3A_771, %scatter3A_772] : memref<2x64x133xf32, #tpu.memory_space<vmem>> -> memref<1x64x133xf32, #tpu.memory_space<vmem>>
        %scatter3A_774 = tpu.memref_squeeze %scatter3A_773 : memref<1x64x133xf32, #tpu.memory_space<vmem>> -> memref<64x133xf32, #tpu.memory_space<vmem>>
        tpu.vector_store_idx %scatter3A_774[%add3A_44, %broadcast_in_dim3A], %get3A_770 : memref<64x133xf32, #tpu.memory_space<vmem>>[vector<16xi32>, vector<16xi32>], vector<16xf32>,
        %get3A_775 = arith.constant 1 : i32
        %get3A_776 = arith.index_cast %get3A_775 : i32 to index
        %get3A_777 = arith.index_cast %add3A_766 : i32 to index
        %get3A_778 = arith.constant 16 : index
        %get3A_779 = tpu.vector_load %arg7[%get3A_776, %get3A_777, %get3A_778] {strides = array<i32>} : memref<2x128x64xf32, #tpu.memory_space<vmem>>, vector<16xf32>,
        %scatter3A_780 = arith.constant 1 : i32
        %scatter3A_781 = arith.constant 0 : i32
        %scatter3A_782 = arith.constant 0 : i32
        %scatter3A_783 = tpu.memref_slice %arg8[%scatter3A_780, %scatter3A_781, %scatter3A_782] : memref<2x64x133xf32, #tpu.memory_space<vmem>> -> memref<1x64x133xf32, #tpu.memory_space<vmem>>
        %scatter3A_784 = tpu.memref_squeeze %scatter3A_783 : memref<1x64x133xf32, #tpu.memory_space<vmem>> -> memref<64x133xf32, #tpu.memory_space<vmem>>
        tpu.vector_store_idx %scatter3A_784[%add3A_47, %broadcast_in_dim3A], %get3A_779 : memref<64x133xf32, #tpu.memory_space<vmem>>[vector<16xi32>, vector<16xi32>], vector<16xf32>,
        %get3A_785 = arith.constant 1 : i32
        %get3A_786 = arith.index_cast %get3A_785 : i32 to index
        %get3A_787 = arith.index_cast %add3A_766 : i32 to index
        %get3A_788 = arith.constant 32 : index
        %get3A_789 = tpu.vector_load %arg7[%get3A_786, %get3A_787, %get3A_788] {strides = array<i32>} : memref<2x128x64xf32, #tpu.memory_space<vmem>>, vector<16xf32>,
        %scatter3A_790 = arith.constant 1 : i32
        %scatter3A_791 = arith.constant 0 : i32
        %scatter3A_792 = arith.constant 0 : i32
        %scatter3A_793 = tpu.memref_slice %arg8[%scatter3A_790, %scatter3A_791, %scatter3A_792] : memref<2x64x133xf32, #tpu.memory_space<vmem>> -> memref<1x64x133xf32, #tpu.memory_space<vmem>>
        %scatter3A_794 = tpu.memref_squeeze %scatter3A_793 : memref<1x64x133xf32, #tpu.memory_space<vmem>> -> memref<64x133xf32, #tpu.memory_space<vmem>>
        tpu.vector_store_idx %scatter3A_794[%add3A_50, %broadcast_in_dim3A], %get3A_789 : memref<64x133xf32, #tpu.memory_space<vmem>>[vector<16xi32>, vector<16xi32>], vector<16xf32>,
        %get3A_795 = arith.constant 1 : i32
        %get3A_796 = arith.index_cast %get3A_795 : i32 to index
        %get3A_797 = arith.index_cast %add3A_766 : i32 to index
        %get3A_798 = arith.constant 48 : index
        %get3A_799 = tpu.vector_load %arg7[%get3A_796, %get3A_797, %get3A_798] {strides = array<i32>} : memref<2x128x64xf32, #tpu.memory_space<vmem>>, vector<16xf32>,
        %scatter3A_800 = arith.constant 1 : i32
        %scatter3A_801 = arith.constant 0 : i32
        %scatter3A_802 = arith.constant 0 : i32
        %scatter3A_803 = tpu.memref_slice %arg8[%scatter3A_800, %scatter3A_801, %scatter3A_802] : memref<2x64x133xf32, #tpu.memory_space<vmem>> -> memref<1x64x133xf32, #tpu.memory_space<vmem>>
        %scatter3A_804 = tpu.memref_squeeze %scatter3A_803 : memref<1x64x133xf32, #tpu.memory_space<vmem>> -> memref<64x133xf32, #tpu.memory_space<vmem>>
        tpu.vector_store_idx %scatter3A_804[%add3A_53, %broadcast_in_dim3A], %get3A_799 : memref<64x133xf32, #tpu.memory_space<vmem>>[vector<16xi32>, vector<16xi32>], vector<16xf32>,
        %mul3A_805 = arith.constant 2 : i32
        %mul3A_806 = arith.muli %scan3A_762, %mul3A_805 : i32
        %add3A_807 = arith.constant 1 : i32
        %add3A_808 = arith.addi %mul3A_806, %add3A_807 : i32
        %broadcast_in_dim3A_809 = vector.broadcast %add3A_808 : i32 to vector<16xi32>
        %get3A_810 = arith.constant 1 : i32
        %get3A_811 = arith.index_cast %get3A_810 : i32 to index
        %get3A_812 = arith.index_cast %add3A_808 : i32 to index
        %get3A_813 = arith.constant 0 : index
        %get3A_814 = tpu.vector_load %arg7[%get3A_811, %get3A_812, %get3A_813] {strides = array<i32>} : memref<2x128x64xf32, #tpu.memory_space<vmem>>, vector<16xf32>,
        %scatter3A_815 = arith.constant 1 : i32
        %scatter3A_816 = arith.constant 0 : i32
        %scatter3A_817 = arith.constant 0 : i32
        %scatter3A_818 = tpu.memref_slice %arg8[%scatter3A_815, %scatter3A_816, %scatter3A_817] : memref<2x64x133xf32, #tpu.memory_space<vmem>> -> memref<1x64x133xf32, #tpu.memory_space<vmem>>
        %scatter3A_819 = tpu.memref_squeeze %scatter3A_818 : memref<1x64x133xf32, #tpu.memory_space<vmem>> -> memref<64x133xf32, #tpu.memory_space<vmem>>
        tpu.vector_store_idx %scatter3A_819[%add3A_44, %broadcast_in_dim3A_809], %get3A_814 : memref<64x133xf32, #tpu.memory_space<vmem>>[vector<16xi32>, vector<16xi32>], vector<16xf32>,
        %get3A_820 = arith.constant 1 : i32
        %get3A_821 = arith.index_cast %get3A_820 : i32 to index
        %get3A_822 = arith.index_cast %add3A_808 : i32 to index
        %get3A_823 = arith.constant 16 : index
        %get3A_824 = tpu.vector_load %arg7[%get3A_821, %get3A_822, %get3A_823] {strides = array<i32>} : memref<2x128x64xf32, #tpu.memory_space<vmem>>, vector<16xf32>,
        %scatter3A_825 = arith.constant 1 : i32
        %scatter3A_826 = arith.constant 0 : i32
        %scatter3A_827 = arith.constant 0 : i32
        %scatter3A_828 = tpu.memref_slice %arg8[%scatter3A_825, %scatter3A_826, %scatter3A_827] : memref<2x64x133xf32, #tpu.memory_space<vmem>> -> memref<1x64x133xf32, #tpu.memory_space<vmem>>
        %scatter3A_829 = tpu.memref_squeeze %scatter3A_828 : memref<1x64x133xf32, #tpu.memory_space<vmem>> -> memref<64x133xf32, #tpu.memory_space<vmem>>
        tpu.vector_store_idx %scatter3A_829[%add3A_47, %broadcast_in_dim3A_809], %get3A_824 : memref<64x133xf32, #tpu.memory_space<vmem>>[vector<16xi32>, vector<16xi32>], vector<16xf32>,
        %get3A_830 = arith.constant 1 : i32
        %get3A_831 = arith.index_cast %get3A_830 : i32 to index
        %get3A_832 = arith.index_cast %add3A_808 : i32 to index
        %get3A_833 = arith.constant 32 : index
        %get3A_834 = tpu.vector_load %arg7[%get3A_831, %get3A_832, %get3A_833] {strides = array<i32>} : memref<2x128x64xf32, #tpu.memory_space<vmem>>, vector<16xf32>,
        %scatter3A_835 = arith.constant 1 : i32
        %scatter3A_836 = arith.constant 0 : i32
        %scatter3A_837 = arith.constant 0 : i32
        %scatter3A_838 = tpu.memref_slice %arg8[%scatter3A_835, %scatter3A_836, %scatter3A_837] : memref<2x64x133xf32, #tpu.memory_space<vmem>> -> memref<1x64x133xf32, #tpu.memory_space<vmem>>
        %scatter3A_839 = tpu.memref_squeeze %scatter3A_838 : memref<1x64x133xf32, #tpu.memory_space<vmem>> -> memref<64x133xf32, #tpu.memory_space<vmem>>
        tpu.vector_store_idx %scatter3A_839[%add3A_50, %broadcast_in_dim3A_809], %get3A_834 : memref<64x133xf32, #tpu.memory_space<vmem>>[vector<16xi32>, vector<16xi32>], vector<16xf32>,
        %get3A_840 = arith.constant 1 : i32
        %get3A_841 = arith.index_cast %get3A_840 : i32 to index
        %get3A_842 = arith.index_cast %add3A_808 : i32 to index
        %get3A_843 = arith.constant 48 : index
        %get3A_844 = tpu.vector_load %arg7[%get3A_841, %get3A_842, %get3A_843] {strides = array<i32>} : memref<2x128x64xf32, #tpu.memory_space<vmem>>, vector<16xf32>,
        %scatter3A_845 = arith.constant 1 : i32
        %scatter3A_846 = arith.constant 0 : i32
        %scatter3A_847 = arith.constant 0 : i32
        %scatter3A_848 = tpu.memref_slice %arg8[%scatter3A_845, %scatter3A_846, %scatter3A_847] : memref<2x64x133xf32, #tpu.memory_space<vmem>> -> memref<1x64x133xf32, #tpu.memory_space<vmem>>
        %scatter3A_849 = tpu.memref_squeeze %scatter3A_848 : memref<1x64x133xf32, #tpu.memory_space<vmem>> -> memref<64x133xf32, #tpu.memory_space<vmem>>
        tpu.vector_store_idx %scatter3A_849[%add3A_53, %broadcast_in_dim3A_809], %get3A_844 : memref<64x133xf32, #tpu.memory_space<vmem>>[vector<16xi32>, vector<16xi32>], vector<16xf32>,
      }
      %scan3A_585 = arith.constant 64 : i32
      %mul3A_586 = arith.constant 8 : i32
      %mul3A_587 = arith.muli %add3A_556, %mul3A_586 : i32
      %add3A_588 = arith.constant 0 : i32
      %add3A_589 = arith.addi %mul3A_587, %add3A_588 : i32
      %mul3A_590 = arith.constant 32 : i32
      %mul3A_591 = arith.muli %add3A_589, %mul3A_590 : i32
      %add3A_592 = arith.addi %mul3A_591, %add3A : i32
      %mul3A_593 = arith.constant 8 : i32
      %mul3A_594 = arith.muli %add3A_592, %mul3A_593 : i32
      %dma_start3A_595 = arith.constant 1 : i32
      %dma_start3A_596 = arith.constant 0 : i32
      %dma_start3A_597 = arith.constant 0 : i32
      %dma_start3A_598 = tpu.memref_slice %arg8[%dma_start3A_595, %dma_start3A_596, %dma_start3A_597] : memref<2x64x133xf32, #tpu.memory_space<vmem>> -> memref<1x8x128xf32, #tpu.memory_space<vmem>>
      %dma_start3A_599 = tpu.memref_squeeze %dma_start3A_598 : memref<1x8x128xf32, #tpu.memory_space<vmem>> -> memref<8x128xf32, #tpu.memory_space<vmem>>
      %dma_start3A_600 = arith.constant 0 : i32
      %dma_start3A_601 = tpu.memref_slice %arg4[%mul3A_594, %dma_start3A_600] : memref<409600x128xf32, #tpu.memory_space<hbm>> -> memref<8x128xf32, #tpu.memory_space<hbm>>
      %dma_start3A_602 = arith.constant 0 : i32
      %dma_start3A_603 = tpu.memref_slice %arg4[%mul3A_594, %dma_start3A_602] : memref<409600x128xf32, #tpu.memory_space<hbm>> -> memref<8x128xf32, #tpu.memory_space<hbm>>
      %dma_start3A_604 = arith.constant 0 : i32
      %dma_start3A_605 = arith.constant 0 : i32
      %dma_start3A_606 = tpu.memref_slice %arg8[%dma_start3A_595, %dma_start3A_604, %dma_start3A_605] : memref<2x64x133xf32, #tpu.memory_space<vmem>> -> memref<1x8x128xf32, #tpu.memory_space<vmem>>
      %dma_start3A_607 = tpu.memref_squeeze %dma_start3A_606 : memref<1x8x128xf32, #tpu.memory_space<vmem>> -> memref<8x128xf32, #tpu.memory_space<vmem>>
      tpu.enqueue_dma source(%dma_start3A_607 : memref<8x128xf32, #tpu.memory_space<vmem>>) target(%dma_start3A_603 : memref<8x128xf32, #tpu.memory_space<hbm>>) target_semaphore(%arg12 : memref<!tpu.dma_semaphore, #tpu.memory_space<semaphore_mem>>)
      %mul3A_608 = arith.constant 8 : i32
      %mul3A_609 = arith.muli %add3A_556, %mul3A_608 : i32
      %add3A_610 = arith.constant 1 : i32
      %add3A_611 = arith.addi %mul3A_609, %add3A_610 : i32
      %mul3A_612 = arith.constant 32 : i32
      %mul3A_613 = arith.muli %add3A_611, %mul3A_612 : i32
      %add3A_614 = arith.addi %mul3A_613, %add3A : i32
      %mul3A_615 = arith.constant 8 : i32
      %mul3A_616 = arith.muli %add3A_614, %mul3A_615 : i32
      %dma_start3A_617 = arith.constant 1 : i32
      %dma_start3A_618 = arith.constant 8 : i32
      %dma_start3A_619 = arith.constant 0 : i32
      %dma_start3A_620 = tpu.memref_slice %arg8[%dma_start3A_617, %dma_start3A_618, %dma_start3A_619] : memref<2x64x133xf32, #tpu.memory_space<vmem>> -> memref<1x8x128xf32, #tpu.memory_space<vmem>>
      %dma_start3A_621 = tpu.memref_squeeze %dma_start3A_620 : memref<1x8x128xf32, #tpu.memory_space<vmem>> -> memref<8x128xf32, #tpu.memory_space<vmem>>
      %dma_start3A_622 = arith.constant 0 : i32
      %dma_start3A_623 = tpu.memref_slice %arg4[%mul3A_616, %dma_start3A_622] : memref<409600x128xf32, #tpu.memory_space<hbm>> -> memref<8x128xf32, #tpu.memory_space<hbm>>
      %dma_start3A_624 = arith.constant 0 : i32
      %dma_start3A_625 = tpu.memref_slice %arg4[%mul3A_616, %dma_start3A_624] : memref<409600x128xf32, #tpu.memory_space<hbm>> -> memref<8x128xf32, #tpu.memory_space<hbm>>
      %dma_start3A_626 = arith.constant 8 : i32
      %dma_start3A_627 = arith.constant 0 : i32
      %dma_start3A_628 = tpu.memref_slice %arg8[%dma_start3A_617, %dma_start3A_626, %dma_start3A_627] : memref<2x64x133xf32, #tpu.memory_space<vmem>> -> memref<1x8x128xf32, #tpu.memory_space<vmem>>
      %dma_start3A_629 = tpu.memref_squeeze %dma_start3A_628 : memref<1x8x128xf32, #tpu.memory_space<vmem>> -> memref<8x128xf32, #tpu.memory_space<vmem>>
      tpu.enqueue_dma source(%dma_start3A_629 : memref<8x128xf32, #tpu.memory_space<vmem>>) target(%dma_start3A_625 : memref<8x128xf32, #tpu.memory_space<hbm>>) target_semaphore(%arg12 : memref<!tpu.dma_semaphore, #tpu.memory_space<semaphore_mem>>)
      %mul3A_630 = arith.constant 8 : i32
      %mul3A_631 = arith.muli %add3A_556, %mul3A_630 : i32
      %add3A_632 = arith.constant 2 : i32
      %add3A_633 = arith.addi %mul3A_631, %add3A_632 : i32
      %mul3A_634 = arith.constant 32 : i32
      %mul3A_635 = arith.muli %add3A_633, %mul3A_634 : i32
      %add3A_636 = arith.addi %mul3A_635, %add3A : i32
      %mul3A_637 = arith.constant 8 : i32
      %mul3A_638 = arith.muli %add3A_636, %mul3A_637 : i32
      %dma_start3A_639 = arith.constant 1 : i32
      %dma_start3A_640 = arith.constant 16 : i32
      %dma_start3A_641 = arith.constant 0 : i32
      %dma_start3A_642 = tpu.memref_slice %arg8[%dma_start3A_639, %dma_start3A_640, %dma_start3A_641] : memref<2x64x133xf32, #tpu.memory_space<vmem>> -> memref<1x8x128xf32, #tpu.memory_space<vmem>>
      %dma_start3A_643 = tpu.memref_squeeze %dma_start3A_642 : memref<1x8x128xf32, #tpu.memory_space<vmem>> -> memref<8x128xf32, #tpu.memory_space<vmem>>
      %dma_start3A_644 = arith.constant 0 : i32
      %dma_start3A_645 = tpu.memref_slice %arg4[%mul3A_638, %dma_start3A_644] : memref<409600x128xf32, #tpu.memory_space<hbm>> -> memref<8x128xf32, #tpu.memory_space<hbm>>
      %dma_start3A_646 = arith.constant 0 : i32
      %dma_start3A_647 = tpu.memref_slice %arg4[%mul3A_638, %dma_start3A_646] : memref<409600x128xf32, #tpu.memory_space<hbm>> -> memref<8x128xf32, #tpu.memory_space<hbm>>
      %dma_start3A_648 = arith.constant 16 : i32
      %dma_start3A_649 = arith.constant 0 : i32
      %dma_start3A_650 = tpu.memref_slice %arg8[%dma_start3A_639, %dma_start3A_648, %dma_start3A_649] : memref<2x64x133xf32, #tpu.memory_space<vmem>> -> memref<1x8x128xf32, #tpu.memory_space<vmem>>
      %dma_start3A_651 = tpu.memref_squeeze %dma_start3A_650 : memref<1x8x128xf32, #tpu.memory_space<vmem>> -> memref<8x128xf32, #tpu.memory_space<vmem>>
      tpu.enqueue_dma source(%dma_start3A_651 : memref<8x128xf32, #tpu.memory_space<vmem>>) target(%dma_start3A_647 : memref<8x128xf32, #tpu.memory_space<hbm>>) target_semaphore(%arg12 : memref<!tpu.dma_semaphore, #tpu.memory_space<semaphore_mem>>)
      %mul3A_652 = arith.constant 8 : i32
      %mul3A_653 = arith.muli %add3A_556, %mul3A_652 : i32
      %add3A_654 = arith.constant 3 : i32
      %add3A_655 = arith.addi %mul3A_653, %add3A_654 : i32
      %mul3A_656 = arith.constant 32 : i32
      %mul3A_657 = arith.muli %add3A_655, %mul3A_656 : i32
      %add3A_658 = arith.addi %mul3A_657, %add3A : i32
      %mul3A_659 = arith.constant 8 : i32
      %mul3A_660 = arith.muli %add3A_658, %mul3A_659 : i32
      %dma_start3A_661 = arith.constant 1 : i32
      %dma_start3A_662 = arith.constant 24 : i32
      %dma_start3A_663 = arith.constant 0 : i32
      %dma_start3A_664 = tpu.memref_slice %arg8[%dma_start3A_661, %dma_start3A_662, %dma_start3A_663] : memref<2x64x133xf32, #tpu.memory_space<vmem>> -> memref<1x8x128xf32, #tpu.memory_space<vmem>>
      %dma_start3A_665 = tpu.memref_squeeze %dma_start3A_664 : memref<1x8x128xf32, #tpu.memory_space<vmem>> -> memref<8x128xf32, #tpu.memory_space<vmem>>
      %dma_start3A_666 = arith.constant 0 : i32
      %dma_start3A_667 = tpu.memref_slice %arg4[%mul3A_660, %dma_start3A_666] : memref<409600x128xf32, #tpu.memory_space<hbm>> -> memref<8x128xf32, #tpu.memory_space<hbm>>
      %dma_start3A_668 = arith.constant 0 : i32
      %dma_start3A_669 = tpu.memref_slice %arg4[%mul3A_660, %dma_start3A_668] : memref<409600x128xf32, #tpu.memory_space<hbm>> -> memref<8x128xf32, #tpu.memory_space<hbm>>
      %dma_start3A_670 = arith.constant 24 : i32
      %dma_start3A_671 = arith.constant 0 : i32
      %dma_start3A_672 = tpu.memref_slice %arg8[%dma_start3A_661, %dma_start3A_670, %dma_start3A_671] : memref<2x64x133xf32, #tpu.memory_space<vmem>> -> memref<1x8x128xf32, #tpu.memory_space<vmem>>
      %dma_start3A_673 = tpu.memref_squeeze %dma_start3A_672 : memref<1x8x128xf32, #tpu.memory_space<vmem>> -> memref<8x128xf32, #tpu.memory_space<vmem>>
      tpu.enqueue_dma source(%dma_start3A_673 : memref<8x128xf32, #tpu.memory_space<vmem>>) target(%dma_start3A_669 : memref<8x128xf32, #tpu.memory_space<hbm>>) target_semaphore(%arg12 : memref<!tpu.dma_semaphore, #tpu.memory_space<semaphore_mem>>)
      %mul3A_674 = arith.constant 8 : i32
      %mul3A_675 = arith.muli %add3A_556, %mul3A_674 : i32
      %add3A_676 = arith.constant 4 : i32
      %add3A_677 = arith.addi %mul3A_675, %add3A_676 : i32
      %mul3A_678 = arith.constant 32 : i32
      %mul3A_679 = arith.muli %add3A_677, %mul3A_678 : i32
      %add3A_680 = arith.addi %mul3A_679, %add3A : i32
      %mul3A_681 = arith.constant 8 : i32
      %mul3A_682 = arith.muli %add3A_680, %mul3A_681 : i32
      %dma_start3A_683 = arith.constant 1 : i32
      %dma_start3A_684 = arith.constant 32 : i32
      %dma_start3A_685 = arith.constant 0 : i32
      %dma_start3A_686 = tpu.memref_slice %arg8[%dma_start3A_683, %dma_start3A_684, %dma_start3A_685] : memref<2x64x133xf32, #tpu.memory_space<vmem>> -> memref<1x8x128xf32, #tpu.memory_space<vmem>>
      %dma_start3A_687 = tpu.memref_squeeze %dma_start3A_686 : memref<1x8x128xf32, #tpu.memory_space<vmem>> -> memref<8x128xf32, #tpu.memory_space<vmem>>
      %dma_start3A_688 = arith.constant 0 : i32
      %dma_start3A_689 = tpu.memref_slice %arg4[%mul3A_682, %dma_start3A_688] : memref<409600x128xf32, #tpu.memory_space<hbm>> -> memref<8x128xf32, #tpu.memory_space<hbm>>
      %dma_start3A_690 = arith.constant 0 : i32
      %dma_start3A_691 = tpu.memref_slice %arg4[%mul3A_682, %dma_start3A_690] : memref<409600x128xf32, #tpu.memory_space<hbm>> -> memref<8x128xf32, #tpu.memory_space<hbm>>
      %dma_start3A_692 = arith.constant 32 : i32
      %dma_start3A_693 = arith.constant 0 : i32
      %dma_start3A_694 = tpu.memref_slice %arg8[%dma_start3A_683, %dma_start3A_692, %dma_start3A_693] : memref<2x64x133xf32, #tpu.memory_space<vmem>> -> memref<1x8x128xf32, #tpu.memory_space<vmem>>
      %dma_start3A_695 = tpu.memref_squeeze %dma_start3A_694 : memref<1x8x128xf32, #tpu.memory_space<vmem>> -> memref<8x128xf32, #tpu.memory_space<vmem>>
      tpu.enqueue_dma source(%dma_start3A_695 : memref<8x128xf32, #tpu.memory_space<vmem>>) target(%dma_start3A_691 : memref<8x128xf32, #tpu.memory_space<hbm>>) target_semaphore(%arg12 : memref<!tpu.dma_semaphore, #tpu.memory_space<semaphore_mem>>)
      %mul3A_696 = arith.constant 8 : i32
      %mul3A_697 = arith.muli %add3A_556, %mul3A_696 : i32
      %add3A_698 = arith.constant 5 : i32
      %add3A_699 = arith.addi %mul3A_697, %add3A_698 : i32
      %mul3A_700 = arith.constant 32 : i32
      %mul3A_701 = arith.muli %add3A_699, %mul3A_700 : i32
      %add3A_702 = arith.addi %mul3A_701, %add3A : i32
      %mul3A_703 = arith.constant 8 : i32
      %mul3A_704 = arith.muli %add3A_702, %mul3A_703 : i32
      %dma_start3A_705 = arith.constant 1 : i32
      %dma_start3A_706 = arith.constant 40 : i32
      %dma_start3A_707 = arith.constant 0 : i32
      %dma_start3A_708 = tpu.memref_slice %arg8[%dma_start3A_705, %dma_start3A_706, %dma_start3A_707] : memref<2x64x133xf32, #tpu.memory_space<vmem>> -> memref<1x8x128xf32, #tpu.memory_space<vmem>>
      %dma_start3A_709 = tpu.memref_squeeze %dma_start3A_708 : memref<1x8x128xf32, #tpu.memory_space<vmem>> -> memref<8x128xf32, #tpu.memory_space<vmem>>
      %dma_start3A_710 = arith.constant 0 : i32
      %dma_start3A_711 = tpu.memref_slice %arg4[%mul3A_704, %dma_start3A_710] : memref<409600x128xf32, #tpu.memory_space<hbm>> -> memref<8x128xf32, #tpu.memory_space<hbm>>
      %dma_start3A_712 = arith.constant 0 : i32
      %dma_start3A_713 = tpu.memref_slice %arg4[%mul3A_704, %dma_start3A_712] : memref<409600x128xf32, #tpu.memory_space<hbm>> -> memref<8x128xf32, #tpu.memory_space<hbm>>
      %dma_start3A_714 = arith.constant 40 : i32
      %dma_start3A_715 = arith.constant 0 : i32
      %dma_start3A_716 = tpu.memref_slice %arg8[%dma_start3A_705, %dma_start3A_714, %dma_start3A_715] : memref<2x64x133xf32, #tpu.memory_space<vmem>> -> memref<1x8x128xf32, #tpu.memory_space<vmem>>
      %dma_start3A_717 = tpu.memref_squeeze %dma_start3A_716 : memref<1x8x128xf32, #tpu.memory_space<vmem>> -> memref<8x128xf32, #tpu.memory_space<vmem>>
      tpu.enqueue_dma source(%dma_start3A_717 : memref<8x128xf32, #tpu.memory_space<vmem>>) target(%dma_start3A_713 : memref<8x128xf32, #tpu.memory_space<hbm>>) target_semaphore(%arg12 : memref<!tpu.dma_semaphore, #tpu.memory_space<semaphore_mem>>)
      %mul3A_718 = arith.constant 8 : i32
      %mul3A_719 = arith.muli %add3A_556, %mul3A_718 : i32
      %add3A_720 = arith.constant 6 : i32
      %add3A_721 = arith.addi %mul3A_719, %add3A_720 : i32
      %mul3A_722 = arith.constant 32 : i32
      %mul3A_723 = arith.muli %add3A_721, %mul3A_722 : i32
      %add3A_724 = arith.addi %mul3A_723, %add3A : i32
      %mul3A_725 = arith.constant 8 : i32
      %mul3A_726 = arith.muli %add3A_724, %mul3A_725 : i32
      %dma_start3A_727 = arith.constant 1 : i32
      %dma_start3A_728 = arith.constant 48 : i32
      %dma_start3A_729 = arith.constant 0 : i32
      %dma_start3A_730 = tpu.memref_slice %arg8[%dma_start3A_727, %dma_start3A_728, %dma_start3A_729] : memref<2x64x133xf32, #tpu.memory_space<vmem>> -> memref<1x8x128xf32, #tpu.memory_space<vmem>>
      %dma_start3A_731 = tpu.memref_squeeze %dma_start3A_730 : memref<1x8x128xf32, #tpu.memory_space<vmem>> -> memref<8x128xf32, #tpu.memory_space<vmem>>
      %dma_start3A_732 = arith.constant 0 : i32
      %dma_start3A_733 = tpu.memref_slice %arg4[%mul3A_726, %dma_start3A_732] : memref<409600x128xf32, #tpu.memory_space<hbm>> -> memref<8x128xf32, #tpu.memory_space<hbm>>
      %dma_start3A_734 = arith.constant 0 : i32
      %dma_start3A_735 = tpu.memref_slice %arg4[%mul3A_726, %dma_start3A_734] : memref<409600x128xf32, #tpu.memory_space<hbm>> -> memref<8x128xf32, #tpu.memory_space<hbm>>
      %dma_start3A_736 = arith.constant 48 : i32
      %dma_start3A_737 = arith.constant 0 : i32
      %dma_start3A_738 = tpu.memref_slice %arg8[%dma_start3A_727, %dma_start3A_736, %dma_start3A_737] : memref<2x64x133xf32, #tpu.memory_space<vmem>> -> memref<1x8x128xf32, #tpu.memory_space<vmem>>
      %dma_start3A_739 = tpu.memref_squeeze %dma_start3A_738 : memref<1x8x128xf32, #tpu.memory_space<vmem>> -> memref<8x128xf32, #tpu.memory_space<vmem>>
      tpu.enqueue_dma source(%dma_start3A_739 : memref<8x128xf32, #tpu.memory_space<vmem>>) target(%dma_start3A_735 : memref<8x128xf32, #tpu.memory_space<hbm>>) target_semaphore(%arg12 : memref<!tpu.dma_semaphore, #tpu.memory_space<semaphore_mem>>)
      %mul3A_740 = arith.constant 8 : i32
      %mul3A_741 = arith.muli %add3A_556, %mul3A_740 : i32
      %add3A_742 = arith.constant 7 : i32
      %add3A_743 = arith.addi %mul3A_741, %add3A_742 : i32
      %mul3A_744 = arith.constant 32 : i32
      %mul3A_745 = arith.muli %add3A_743, %mul3A_744 : i32
      %add3A_746 = arith.addi %mul3A_745, %add3A : i32
      %mul3A_747 = arith.constant 8 : i32
      %mul3A_748 = arith.muli %add3A_746, %mul3A_747 : i32
      %dma_start3A_749 = arith.constant 1 : i32
      %dma_start3A_750 = arith.constant 56 : i32
      %dma_start3A_751 = arith.constant 0 : i32
      %dma_start3A_752 = tpu.memref_slice %arg8[%dma_start3A_749, %dma_start3A_750, %dma_start3A_751] : memref<2x64x133xf32, #tpu.memory_space<vmem>> -> memref<1x8x128xf32, #tpu.memory_space<vmem>>
      %dma_start3A_753 = tpu.memref_squeeze %dma_start3A_752 : memref<1x8x128xf32, #tpu.memory_space<vmem>> -> memref<8x128xf32, #tpu.memory_space<vmem>>
      %dma_start3A_754 = arith.constant 0 : i32
      %dma_start3A_755 = tpu.memref_slice %arg4[%mul3A_748, %dma_start3A_754] : memref<409600x128xf32, #tpu.memory_space<hbm>> -> memref<8x128xf32, #tpu.memory_space<hbm>>
      %dma_start3A_756 = arith.constant 0 : i32
      %dma_start3A_757 = tpu.memref_slice %arg4[%mul3A_748, %dma_start3A_756] : memref<409600x128xf32, #tpu.memory_space<hbm>> -> memref<8x128xf32, #tpu.memory_space<hbm>>
      %dma_start3A_758 = arith.constant 56 : i32
      %dma_start3A_759 = arith.constant 0 : i32
      %dma_start3A_760 = tpu.memref_slice %arg8[%dma_start3A_749, %dma_start3A_758, %dma_start3A_759] : memref<2x64x133xf32, #tpu.memory_space<vmem>> -> memref<1x8x128xf32, #tpu.memory_space<vmem>>
      %dma_start3A_761 = tpu.memref_squeeze %dma_start3A_760 : memref<1x8x128xf32, #tpu.memory_space<vmem>> -> memref<8x128xf32, #tpu.memory_space<vmem>>
      tpu.enqueue_dma source(%dma_start3A_761 : memref<8x128xf32, #tpu.memory_space<vmem>>) target(%dma_start3A_757 : memref<8x128xf32, #tpu.memory_space<hbm>>) target_semaphore(%arg12 : memref<!tpu.dma_semaphore, #tpu.memory_space<semaphore_mem>>)
    }
    %scan3A_75 = arith.constant 100 : i32
    %add3A_76 = arith.constant 50688 : i32
    %add3A_77 = arith.addi %add3A_76, %add3A : i32
    %mul3A_78 = arith.constant 8 : i32
    %mul3A_79 = arith.muli %add3A_77, %mul3A_78 : i32
    %dma_wait3A = arith.constant 0 : i32
    %dma_wait3A_80 = arith.constant 0 : i32
    %dma_wait3A_81 = arith.constant 0 : i32
    %dma_wait3A_82 = tpu.memref_slice %arg8[%dma_wait3A, %dma_wait3A_80, %dma_wait3A_81] : memref<2x64x133xf32, #tpu.memory_space<vmem>> -> memref<1x8x128xf32, #tpu.memory_space<vmem>>
    %dma_wait3A_83 = tpu.memref_squeeze %dma_wait3A_82 : memref<1x8x128xf32, #tpu.memory_space<vmem>> -> memref<8x128xf32, #tpu.memory_space<vmem>>
    %dma_wait3A_84 = arith.constant 0 : i32
    %dma_wait3A_85 = tpu.memref_slice %arg4[%mul3A_79, %dma_wait3A_84] : memref<409600x128xf32, #tpu.memory_space<hbm>> -> memref<8x128xf32, #tpu.memory_space<hbm>>
    %dma_wait3A_86 = arith.constant 0 : i32
    %dma_wait3A_87 = tpu.memref_slice %arg4[%mul3A_79, %dma_wait3A_86] : memref<409600x128xf32, #tpu.memory_space<hbm>> -> memref<8x128xf32, #tpu.memory_space<hbm>>
    %dma_wait3A_88 = arith.constant 0 : i32
    %dma_wait3A_89 = arith.constant 0 : i32
    %dma_wait3A_90 = tpu.memref_slice %arg8[%dma_wait3A, %dma_wait3A_88, %dma_wait3A_89] : memref<2x64x133xf32, #tpu.memory_space<vmem>> -> memref<1x8x128xf32, #tpu.memory_space<vmem>>
    %dma_wait3A_91 = tpu.memref_squeeze %dma_wait3A_90 : memref<1x8x128xf32, #tpu.memory_space<vmem>> -> memref<8x128xf32, #tpu.memory_space<vmem>>
    tpu.wait_dma2 semaphore(%arg11 : memref<!tpu.dma_semaphore, #tpu.memory_space<semaphore_mem>>) src(%dma_wait3A_91 : memref<8x128xf32, #tpu.memory_space<vmem>>) dst(%dma_wait3A_87 : memref<8x128xf32, #tpu.memory_space<hbm>>)
    %add3A_92 = arith.constant 50720 : i32
    %add3A_93 = arith.addi %add3A_92, %add3A : i32
    %mul3A_94 = arith.constant 8 : i32
    %mul3A_95 = arith.muli %add3A_93, %mul3A_94 : i32
    %dma_wait3A_96 = arith.constant 0 : i32
    %dma_wait3A_97 = arith.constant 8 : i32
    %dma_wait3A_98 = arith.constant 0 : i32
    %dma_wait3A_99 = tpu.memref_slice %arg8[%dma_wait3A_96, %dma_wait3A_97, %dma_wait3A_98] : memref<2x64x133xf32, #tpu.memory_space<vmem>> -> memref<1x8x128xf32, #tpu.memory_space<vmem>>
    %dma_wait3A_100 = tpu.memref_squeeze %dma_wait3A_99 : memref<1x8x128xf32, #tpu.memory_space<vmem>> -> memref<8x128xf32, #tpu.memory_space<vmem>>
    %dma_wait3A_101 = arith.constant 0 : i32
    %dma_wait3A_102 = tpu.memref_slice %arg4[%mul3A_95, %dma_wait3A_101] : memref<409600x128xf32, #tpu.memory_space<hbm>> -> memref<8x128xf32, #tpu.memory_space<hbm>>
    %dma_wait3A_103 = arith.constant 0 : i32
    %dma_wait3A_104 = tpu.memref_slice %arg4[%mul3A_95, %dma_wait3A_103] : memref<409600x128xf32, #tpu.memory_space<hbm>> -> memref<8x128xf32, #tpu.memory_space<hbm>>
    %dma_wait3A_105 = arith.constant 8 : i32
    %dma_wait3A_106 = arith.constant 0 : i32
    %dma_wait3A_107 = tpu.memref_slice %arg8[%dma_wait3A_96, %dma_wait3A_105, %dma_wait3A_106] : memref<2x64x133xf32, #tpu.memory_space<vmem>> -> memref<1x8x128xf32, #tpu.memory_space<vmem>>
    %dma_wait3A_108 = tpu.memref_squeeze %dma_wait3A_107 : memref<1x8x128xf32, #tpu.memory_space<vmem>> -> memref<8x128xf32, #tpu.memory_space<vmem>>
    tpu.wait_dma2 semaphore(%arg11 : memref<!tpu.dma_semaphore, #tpu.memory_space<semaphore_mem>>) src(%dma_wait3A_108 : memref<8x128xf32, #tpu.memory_space<vmem>>) dst(%dma_wait3A_104 : memref<8x128xf32, #tpu.memory_space<hbm>>)
    %add3A_109 = arith.constant 50752 : i32
    %add3A_110 = arith.addi %add3A_109, %add3A : i32
    %mul3A_111 = arith.constant 8 : i32
    %mul3A_112 = arith.muli %add3A_110, %mul3A_111 : i32
    %dma_wait3A_113 = arith.constant 0 : i32
    %dma_wait3A_114 = arith.constant 16 : i32
    %dma_wait3A_115 = arith.constant 0 : i32
    %dma_wait3A_116 = tpu.memref_slice %arg8[%dma_wait3A_113, %dma_wait3A_114, %dma_wait3A_115] : memref<2x64x133xf32, #tpu.memory_space<vmem>> -> memref<1x8x128xf32, #tpu.memory_space<vmem>>
    %dma_wait3A_117 = tpu.memref_squeeze %dma_wait3A_116 : memref<1x8x128xf32, #tpu.memory_space<vmem>> -> memref<8x128xf32, #tpu.memory_space<vmem>>
    %dma_wait3A_118 = arith.constant 0 : i32
    %dma_wait3A_119 = tpu.memref_slice %arg4[%mul3A_112, %dma_wait3A_118] : memref<409600x128xf32, #tpu.memory_space<hbm>> -> memref<8x128xf32, #tpu.memory_space<hbm>>
    %dma_wait3A_120 = arith.constant 0 : i32
    %dma_wait3A_121 = tpu.memref_slice %arg4[%mul3A_112, %dma_wait3A_120] : memref<409600x128xf32, #tpu.memory_space<hbm>> -> memref<8x128xf32, #tpu.memory_space<hbm>>
    %dma_wait3A_122 = arith.constant 16 : i32
    %dma_wait3A_123 = arith.constant 0 : i32
    %dma_wait3A_124 = tpu.memref_slice %arg8[%dma_wait3A_113, %dma_wait3A_122, %dma_wait3A_123] : memref<2x64x133xf32, #tpu.memory_space<vmem>> -> memref<1x8x128xf32, #tpu.memory_space<vmem>>
    %dma_wait3A_125 = tpu.memref_squeeze %dma_wait3A_124 : memref<1x8x128xf32, #tpu.memory_space<vmem>> -> memref<8x128xf32, #tpu.memory_space<vmem>>
    tpu.wait_dma2 semaphore(%arg11 : memref<!tpu.dma_semaphore, #tpu.memory_space<semaphore_mem>>) src(%dma_wait3A_125 : memref<8x128xf32, #tpu.memory_space<vmem>>) dst(%dma_wait3A_121 : memref<8x128xf32, #tpu.memory_space<hbm>>)
    %add3A_126 = arith.constant 50784 : i32
    %add3A_127 = arith.addi %add3A_126, %add3A : i32
    %mul3A_128 = arith.constant 8 : i32
    %mul3A_129 = arith.muli %add3A_127, %mul3A_128 : i32
    %dma_wait3A_130 = arith.constant 0 : i32
    %dma_wait3A_131 = arith.constant 24 : i32
    %dma_wait3A_132 = arith.constant 0 : i32
    %dma_wait3A_133 = tpu.memref_slice %arg8[%dma_wait3A_130, %dma_wait3A_131, %dma_wait3A_132] : memref<2x64x133xf32, #tpu.memory_space<vmem>> -> memref<1x8x128xf32, #tpu.memory_space<vmem>>
    %dma_wait3A_134 = tpu.memref_squeeze %dma_wait3A_133 : memref<1x8x128xf32, #tpu.memory_space<vmem>> -> memref<8x128xf32, #tpu.memory_space<vmem>>
    %dma_wait3A_135 = arith.constant 0 : i32
    %dma_wait3A_136 = tpu.memref_slice %arg4[%mul3A_129, %dma_wait3A_135] : memref<409600x128xf32, #tpu.memory_space<hbm>> -> memref<8x128xf32, #tpu.memory_space<hbm>>
    %dma_wait3A_137 = arith.constant 0 : i32
    %dma_wait3A_138 = tpu.memref_slice %arg4[%mul3A_129, %dma_wait3A_137] : memref<409600x128xf32, #tpu.memory_space<hbm>> -> memref<8x128xf32, #tpu.memory_space<hbm>>
    %dma_wait3A_139 = arith.constant 24 : i32
    %dma_wait3A_140 = arith.constant 0 : i32
    %dma_wait3A_141 = tpu.memref_slice %arg8[%dma_wait3A_130, %dma_wait3A_139, %dma_wait3A_140] : memref<2x64x133xf32, #tpu.memory_space<vmem>> -> memref<1x8x128xf32, #tpu.memory_space<vmem>>
    %dma_wait3A_142 = tpu.memref_squeeze %dma_wait3A_141 : memref<1x8x128xf32, #tpu.memory_space<vmem>> -> memref<8x128xf32, #tpu.memory_space<vmem>>
    tpu.wait_dma2 semaphore(%arg11 : memref<!tpu.dma_semaphore, #tpu.memory_space<semaphore_mem>>) src(%dma_wait3A_142 : memref<8x128xf32, #tpu.memory_space<vmem>>) dst(%dma_wait3A_138 : memref<8x128xf32, #tpu.memory_space<hbm>>)
    %add3A_143 = arith.constant 50816 : i32
    %add3A_144 = arith.addi %add3A_143, %add3A : i32
    %mul3A_145 = arith.constant 8 : i32
    %mul3A_146 = arith.muli %add3A_144, %mul3A_145 : i32
    %dma_wait3A_147 = arith.constant 0 : i32
    %dma_wait3A_148 = arith.constant 32 : i32
    %dma_wait3A_149 = arith.constant 0 : i32
    %dma_wait3A_150 = tpu.memref_slice %arg8[%dma_wait3A_147, %dma_wait3A_148, %dma_wait3A_149] : memref<2x64x133xf32, #tpu.memory_space<vmem>> -> memref<1x8x128xf32, #tpu.memory_space<vmem>>
    %dma_wait3A_151 = tpu.memref_squeeze %dma_wait3A_150 : memref<1x8x128xf32, #tpu.memory_space<vmem>> -> memref<8x128xf32, #tpu.memory_space<vmem>>
    %dma_wait3A_152 = arith.constant 0 : i32
    %dma_wait3A_153 = tpu.memref_slice %arg4[%mul3A_146, %dma_wait3A_152] : memref<409600x128xf32, #tpu.memory_space<hbm>> -> memref<8x128xf32, #tpu.memory_space<hbm>>
    %dma_wait3A_154 = arith.constant 0 : i32
    %dma_wait3A_155 = tpu.memref_slice %arg4[%mul3A_146, %dma_wait3A_154] : memref<409600x128xf32, #tpu.memory_space<hbm>> -> memref<8x128xf32, #tpu.memory_space<hbm>>
    %dma_wait3A_156 = arith.constant 32 : i32
    %dma_wait3A_157 = arith.constant 0 : i32
    %dma_wait3A_158 = tpu.memref_slice %arg8[%dma_wait3A_147, %dma_wait3A_156, %dma_wait3A_157] : memref<2x64x133xf32, #tpu.memory_space<vmem>> -> memref<1x8x128xf32, #tpu.memory_space<vmem>>
    %dma_wait3A_159 = tpu.memref_squeeze %dma_wait3A_158 : memref<1x8x128xf32, #tpu.memory_space<vmem>> -> memref<8x128xf32, #tpu.memory_space<vmem>>
    tpu.wait_dma2 semaphore(%arg11 : memref<!tpu.dma_semaphore, #tpu.memory_space<semaphore_mem>>) src(%dma_wait3A_159 : memref<8x128xf32, #tpu.memory_space<vmem>>) dst(%dma_wait3A_155 : memref<8x128xf32, #tpu.memory_space<hbm>>)
    %add3A_160 = arith.constant 50848 : i32
    %add3A_161 = arith.addi %add3A_160, %add3A : i32
    %mul3A_162 = arith.constant 8 : i32
    %mul3A_163 = arith.muli %add3A_161, %mul3A_162 : i32
    %dma_wait3A_164 = arith.constant 0 : i32
    %dma_wait3A_165 = arith.constant 40 : i32
    %dma_wait3A_166 = arith.constant 0 : i32
    %dma_wait3A_167 = tpu.memref_slice %arg8[%dma_wait3A_164, %dma_wait3A_165, %dma_wait3A_166] : memref<2x64x133xf32, #tpu.memory_space<vmem>> -> memref<1x8x128xf32, #tpu.memory_space<vmem>>
    %dma_wait3A_168 = tpu.memref_squeeze %dma_wait3A_167 : memref<1x8x128xf32, #tpu.memory_space<vmem>> -> memref<8x128xf32, #tpu.memory_space<vmem>>
    %dma_wait3A_169 = arith.constant 0 : i32
    %dma_wait3A_170 = tpu.memref_slice %arg4[%mul3A_163, %dma_wait3A_169] : memref<409600x128xf32, #tpu.memory_space<hbm>> -> memref<8x128xf32, #tpu.memory_space<hbm>>
    %dma_wait3A_171 = arith.constant 0 : i32
    %dma_wait3A_172 = tpu.memref_slice %arg4[%mul3A_163, %dma_wait3A_171] : memref<409600x128xf32, #tpu.memory_space<hbm>> -> memref<8x128xf32, #tpu.memory_space<hbm>>
    %dma_wait3A_173 = arith.constant 40 : i32
    %dma_wait3A_174 = arith.constant 0 : i32
    %dma_wait3A_175 = tpu.memref_slice %arg8[%dma_wait3A_164, %dma_wait3A_173, %dma_wait3A_174] : memref<2x64x133xf32, #tpu.memory_space<vmem>> -> memref<1x8x128xf32, #tpu.memory_space<vmem>>
    %dma_wait3A_176 = tpu.memref_squeeze %dma_wait3A_175 : memref<1x8x128xf32, #tpu.memory_space<vmem>> -> memref<8x128xf32, #tpu.memory_space<vmem>>
    tpu.wait_dma2 semaphore(%arg11 : memref<!tpu.dma_semaphore, #tpu.memory_space<semaphore_mem>>) src(%dma_wait3A_176 : memref<8x128xf32, #tpu.memory_space<vmem>>) dst(%dma_wait3A_172 : memref<8x128xf32, #tpu.memory_space<hbm>>)
    %add3A_177 = arith.constant 50880 : i32
    %add3A_178 = arith.addi %add3A_177, %add3A : i32
    %mul3A_179 = arith.constant 8 : i32
    %mul3A_180 = arith.muli %add3A_178, %mul3A_179 : i32
    %dma_wait3A_181 = arith.constant 0 : i32
    %dma_wait3A_182 = arith.constant 48 : i32
    %dma_wait3A_183 = arith.constant 0 : i32
    %dma_wait3A_184 = tpu.memref_slice %arg8[%dma_wait3A_181, %dma_wait3A_182, %dma_wait3A_183] : memref<2x64x133xf32, #tpu.memory_space<vmem>> -> memref<1x8x128xf32, #tpu.memory_space<vmem>>
    %dma_wait3A_185 = tpu.memref_squeeze %dma_wait3A_184 : memref<1x8x128xf32, #tpu.memory_space<vmem>> -> memref<8x128xf32, #tpu.memory_space<vmem>>
    %dma_wait3A_186 = arith.constant 0 : i32
    %dma_wait3A_187 = tpu.memref_slice %arg4[%mul3A_180, %dma_wait3A_186] : memref<409600x128xf32, #tpu.memory_space<hbm>> -> memref<8x128xf32, #tpu.memory_space<hbm>>
    %dma_wait3A_188 = arith.constant 0 : i32
    %dma_wait3A_189 = tpu.memref_slice %arg4[%mul3A_180, %dma_wait3A_188] : memref<409600x128xf32, #tpu.memory_space<hbm>> -> memref<8x128xf32, #tpu.memory_space<hbm>>
    %dma_wait3A_190 = arith.constant 48 : i32
    %dma_wait3A_191 = arith.constant 0 : i32
    %dma_wait3A_192 = tpu.memref_slice %arg8[%dma_wait3A_181, %dma_wait3A_190, %dma_wait3A_191] : memref<2x64x133xf32, #tpu.memory_space<vmem>> -> memref<1x8x128xf32, #tpu.memory_space<vmem>>
    %dma_wait3A_193 = tpu.memref_squeeze %dma_wait3A_192 : memref<1x8x128xf32, #tpu.memory_space<vmem>> -> memref<8x128xf32, #tpu.memory_space<vmem>>
    tpu.wait_dma2 semaphore(%arg11 : memref<!tpu.dma_semaphore, #tpu.memory_space<semaphore_mem>>) src(%dma_wait3A_193 : memref<8x128xf32, #tpu.memory_space<vmem>>) dst(%dma_wait3A_189 : memref<8x128xf32, #tpu.memory_space<hbm>>)
    %add3A_194 = arith.constant 50912 : i32
    %add3A_195 = arith.addi %add3A_194, %add3A : i32
    %mul3A_196 = arith.constant 8 : i32
    %mul3A_197 = arith.muli %add3A_195, %mul3A_196 : i32
    %dma_wait3A_198 = arith.constant 0 : i32
    %dma_wait3A_199 = arith.constant 56 : i32
    %dma_wait3A_200 = arith.constant 0 : i32
    %dma_wait3A_201 = tpu.memref_slice %arg8[%dma_wait3A_198, %dma_wait3A_199, %dma_wait3A_200] : memref<2x64x133xf32, #tpu.memory_space<vmem>> -> memref<1x8x128xf32, #tpu.memory_space<vmem>>
    %dma_wait3A_202 = tpu.memref_squeeze %dma_wait3A_201 : memref<1x8x128xf32, #tpu.memory_space<vmem>> -> memref<8x128xf32, #tpu.memory_space<vmem>>
    %dma_wait3A_203 = arith.constant 0 : i32
    %dma_wait3A_204 = tpu.memref_slice %arg4[%mul3A_197, %dma_wait3A_203] : memref<409600x128xf32, #tpu.memory_space<hbm>> -> memref<8x128xf32, #tpu.memory_space<hbm>>
    %dma_wait3A_205 = arith.constant 0 : i32
    %dma_wait3A_206 = tpu.memref_slice %arg4[%mul3A_197, %dma_wait3A_205] : memref<409600x128xf32, #tpu.memory_space<hbm>> -> memref<8x128xf32, #tpu.memory_space<hbm>>
    %dma_wait3A_207 = arith.constant 56 : i32
    %dma_wait3A_208 = arith.constant 0 : i32
    %dma_wait3A_209 = tpu.memref_slice %arg8[%dma_wait3A_198, %dma_wait3A_207, %dma_wait3A_208] : memref<2x64x133xf32, #tpu.memory_space<vmem>> -> memref<1x8x128xf32, #tpu.memory_space<vmem>>
    %dma_wait3A_210 = tpu.memref_squeeze %dma_wait3A_209 : memref<1x8x128xf32, #tpu.memory_space<vmem>> -> memref<8x128xf32, #tpu.memory_space<vmem>>
    tpu.wait_dma2 semaphore(%arg11 : memref<!tpu.dma_semaphore, #tpu.memory_space<semaphore_mem>>) src(%dma_wait3A_210 : memref<8x128xf32, #tpu.memory_space<vmem>>) dst(%dma_wait3A_206 : memref<8x128xf32, #tpu.memory_space<hbm>>)
    %add3A_211 = arith.constant 50944 : i32
    %add3A_212 = arith.addi %add3A_211, %add3A : i32
    %mul3A_213 = arith.constant 8 : i32
    %mul3A_214 = arith.muli %add3A_212, %mul3A_213 : i32
    %dma_wait3A_215 = arith.constant 1 : i32
    %dma_wait3A_216 = arith.constant 0 : i32
    %dma_wait3A_217 = arith.constant 0 : i32
    %dma_wait3A_218 = tpu.memref_slice %arg8[%dma_wait3A_215, %dma_wait3A_216, %dma_wait3A_217] : memref<2x64x133xf32, #tpu.memory_space<vmem>> -> memref<1x8x128xf32, #tpu.memory_space<vmem>>
    %dma_wait3A_219 = tpu.memref_squeeze %dma_wait3A_218 : memref<1x8x128xf32, #tpu.memory_space<vmem>> -> memref<8x128xf32, #tpu.memory_space<vmem>>
    %dma_wait3A_220 = arith.constant 0 : i32
    %dma_wait3A_221 = tpu.memref_slice %arg4[%mul3A_214, %dma_wait3A_220] : memref<409600x128xf32, #tpu.memory_space<hbm>> -> memref<8x128xf32, #tpu.memory_space<hbm>>
    %dma_wait3A_222 = arith.constant 0 : i32
    %dma_wait3A_223 = tpu.memref_slice %arg4[%mul3A_214, %dma_wait3A_222] : memref<409600x128xf32, #tpu.memory_space<hbm>> -> memref<8x128xf32, #tpu.memory_space<hbm>>
    %dma_wait3A_224 = arith.constant 0 : i32
    %dma_wait3A_225 = arith.constant 0 : i32
    %dma_wait3A_226 = tpu.memref_slice %arg8[%dma_wait3A_215, %dma_wait3A_224, %dma_wait3A_225] : memref<2x64x133xf32, #tpu.memory_space<vmem>> -> memref<1x8x128xf32, #tpu.memory_space<vmem>>
    %dma_wait3A_227 = tpu.memref_squeeze %dma_wait3A_226 : memref<1x8x128xf32, #tpu.memory_space<vmem>> -> memref<8x128xf32, #tpu.memory_space<vmem>>
    tpu.wait_dma2 semaphore(%arg12 : memref<!tpu.dma_semaphore, #tpu.memory_space<semaphore_mem>>) src(%dma_wait3A_227 : memref<8x128xf32, #tpu.memory_space<vmem>>) dst(%dma_wait3A_223 : memref<8x128xf32, #tpu.memory_space<hbm>>)
    %add3A_228 = arith.constant 50976 : i32
    %add3A_229 = arith.addi %add3A_228, %add3A : i32
    %mul3A_230 = arith.constant 8 : i32
    %mul3A_231 = arith.muli %add3A_229, %mul3A_230 : i32
    %dma_wait3A_232 = arith.constant 1 : i32
    %dma_wait3A_233 = arith.constant 8 : i32
    %dma_wait3A_234 = arith.constant 0 : i32
    %dma_wait3A_235 = tpu.memref_slice %arg8[%dma_wait3A_232, %dma_wait3A_233, %dma_wait3A_234] : memref<2x64x133xf32, #tpu.memory_space<vmem>> -> memref<1x8x128xf32, #tpu.memory_space<vmem>>
    %dma_wait3A_236 = tpu.memref_squeeze %dma_wait3A_235 : memref<1x8x128xf32, #tpu.memory_space<vmem>> -> memref<8x128xf32, #tpu.memory_space<vmem>>
    %dma_wait3A_237 = arith.constant 0 : i32
    %dma_wait3A_238 = tpu.memref_slice %arg4[%mul3A_231, %dma_wait3A_237] : memref<409600x128xf32, #tpu.memory_space<hbm>> -> memref<8x128xf32, #tpu.memory_space<hbm>>
    %dma_wait3A_239 = arith.constant 0 : i32
    %dma_wait3A_240 = tpu.memref_slice %arg4[%mul3A_231, %dma_wait3A_239] : memref<409600x128xf32, #tpu.memory_space<hbm>> -> memref<8x128xf32, #tpu.memory_space<hbm>>
    %dma_wait3A_241 = arith.constant 8 : i32
    %dma_wait3A_242 = arith.constant 0 : i32
    %dma_wait3A_243 = tpu.memref_slice %arg8[%dma_wait3A_232, %dma_wait3A_241, %dma_wait3A_242] : memref<2x64x133xf32, #tpu.memory_space<vmem>> -> memref<1x8x128xf32, #tpu.memory_space<vmem>>
    %dma_wait3A_244 = tpu.memref_squeeze %dma_wait3A_243 : memref<1x8x128xf32, #tpu.memory_space<vmem>> -> memref<8x128xf32, #tpu.memory_space<vmem>>
    tpu.wait_dma2 semaphore(%arg12 : memref<!tpu.dma_semaphore, #tpu.memory_space<semaphore_mem>>) src(%dma_wait3A_244 : memref<8x128xf32, #tpu.memory_space<vmem>>) dst(%dma_wait3A_240 : memref<8x128xf32, #tpu.memory_space<hbm>>)
    %add3A_245 = arith.constant 51008 : i32
    %add3A_246 = arith.addi %add3A_245, %add3A : i32
    %mul3A_247 = arith.constant 8 : i32
    %mul3A_248 = arith.muli %add3A_246, %mul3A_247 : i32
    %dma_wait3A_249 = arith.constant 1 : i32
    %dma_wait3A_250 = arith.constant 16 : i32
    %dma_wait3A_251 = arith.constant 0 : i32
    %dma_wait3A_252 = tpu.memref_slice %arg8[%dma_wait3A_249, %dma_wait3A_250, %dma_wait3A_251] : memref<2x64x133xf32, #tpu.memory_space<vmem>> -> memref<1x8x128xf32, #tpu.memory_space<vmem>>
    %dma_wait3A_253 = tpu.memref_squeeze %dma_wait3A_252 : memref<1x8x128xf32, #tpu.memory_space<vmem>> -> memref<8x128xf32, #tpu.memory_space<vmem>>
    %dma_wait3A_254 = arith.constant 0 : i32
    %dma_wait3A_255 = tpu.memref_slice %arg4[%mul3A_248, %dma_wait3A_254] : memref<409600x128xf32, #tpu.memory_space<hbm>> -> memref<8x128xf32, #tpu.memory_space<hbm>>
    %dma_wait3A_256 = arith.constant 0 : i32
    %dma_wait3A_257 = tpu.memref_slice %arg4[%mul3A_248, %dma_wait3A_256] : memref<409600x128xf32, #tpu.memory_space<hbm>> -> memref<8x128xf32, #tpu.memory_space<hbm>>
    %dma_wait3A_258 = arith.constant 16 : i32
    %dma_wait3A_259 = arith.constant 0 : i32
    %dma_wait3A_260 = tpu.memref_slice %arg8[%dma_wait3A_249, %dma_wait3A_258, %dma_wait3A_259] : memref<2x64x133xf32, #tpu.memory_space<vmem>> -> memref<1x8x128xf32, #tpu.memory_space<vmem>>
    %dma_wait3A_261 = tpu.memref_squeeze %dma_wait3A_260 : memref<1x8x128xf32, #tpu.memory_space<vmem>> -> memref<8x128xf32, #tpu.memory_space<vmem>>
    tpu.wait_dma2 semaphore(%arg12 : memref<!tpu.dma_semaphore, #tpu.memory_space<semaphore_mem>>) src(%dma_wait3A_261 : memref<8x128xf32, #tpu.memory_space<vmem>>) dst(%dma_wait3A_257 : memref<8x128xf32, #tpu.memory_space<hbm>>)
    %add3A_262 = arith.constant 51040 : i32
    %add3A_263 = arith.addi %add3A_262, %add3A : i32
    %mul3A_264 = arith.constant 8 : i32
    %mul3A_265 = arith.muli %add3A_263, %mul3A_264 : i32
    %dma_wait3A_266 = arith.constant 1 : i32
    %dma_wait3A_267 = arith.constant 24 : i32
    %dma_wait3A_268 = arith.constant 0 : i32
    %dma_wait3A_269 = tpu.memref_slice %arg8[%dma_wait3A_266, %dma_wait3A_267, %dma_wait3A_268] : memref<2x64x133xf32, #tpu.memory_space<vmem>> -> memref<1x8x128xf32, #tpu.memory_space<vmem>>
    %dma_wait3A_270 = tpu.memref_squeeze %dma_wait3A_269 : memref<1x8x128xf32, #tpu.memory_space<vmem>> -> memref<8x128xf32, #tpu.memory_space<vmem>>
    %dma_wait3A_271 = arith.constant 0 : i32
    %dma_wait3A_272 = tpu.memref_slice %arg4[%mul3A_265, %dma_wait3A_271] : memref<409600x128xf32, #tpu.memory_space<hbm>> -> memref<8x128xf32, #tpu.memory_space<hbm>>
    %dma_wait3A_273 = arith.constant 0 : i32
    %dma_wait3A_274 = tpu.memref_slice %arg4[%mul3A_265, %dma_wait3A_273] : memref<409600x128xf32, #tpu.memory_space<hbm>> -> memref<8x128xf32, #tpu.memory_space<hbm>>
    %dma_wait3A_275 = arith.constant 24 : i32
    %dma_wait3A_276 = arith.constant 0 : i32
    %dma_wait3A_277 = tpu.memref_slice %arg8[%dma_wait3A_266, %dma_wait3A_275, %dma_wait3A_276] : memref<2x64x133xf32, #tpu.memory_space<vmem>> -> memref<1x8x128xf32, #tpu.memory_space<vmem>>
    %dma_wait3A_278 = tpu.memref_squeeze %dma_wait3A_277 : memref<1x8x128xf32, #tpu.memory_space<vmem>> -> memref<8x128xf32, #tpu.memory_space<vmem>>
    tpu.wait_dma2 semaphore(%arg12 : memref<!tpu.dma_semaphore, #tpu.memory_space<semaphore_mem>>) src(%dma_wait3A_278 : memref<8x128xf32, #tpu.memory_space<vmem>>) dst(%dma_wait3A_274 : memref<8x128xf32, #tpu.memory_space<hbm>>)
    %add3A_279 = arith.constant 51072 : i32
    %add3A_280 = arith.addi %add3A_279, %add3A : i32
    %mul3A_281 = arith.constant 8 : i32
    %mul3A_282 = arith.muli %add3A_280, %mul3A_281 : i32
    %dma_wait3A_283 = arith.constant 1 : i32
    %dma_wait3A_284 = arith.constant 32 : i32
    %dma_wait3A_285 = arith.constant 0 : i32
    %dma_wait3A_286 = tpu.memref_slice %arg8[%dma_wait3A_283, %dma_wait3A_284, %dma_wait3A_285] : memref<2x64x133xf32, #tpu.memory_space<vmem>> -> memref<1x8x128xf32, #tpu.memory_space<vmem>>
    %dma_wait3A_287 = tpu.memref_squeeze %dma_wait3A_286 : memref<1x8x128xf32, #tpu.memory_space<vmem>> -> memref<8x128xf32, #tpu.memory_space<vmem>>
    %dma_wait3A_288 = arith.constant 0 : i32
    %dma_wait3A_289 = tpu.memref_slice %arg4[%mul3A_282, %dma_wait3A_288] : memref<409600x128xf32, #tpu.memory_space<hbm>> -> memref<8x128xf32, #tpu.memory_space<hbm>>
    %dma_wait3A_290 = arith.constant 0 : i32
    %dma_wait3A_291 = tpu.memref_slice %arg4[%mul3A_282, %dma_wait3A_290] : memref<409600x128xf32, #tpu.memory_space<hbm>> -> memref<8x128xf32, #tpu.memory_space<hbm>>
    %dma_wait3A_292 = arith.constant 32 : i32
    %dma_wait3A_293 = arith.constant 0 : i32
    %dma_wait3A_294 = tpu.memref_slice %arg8[%dma_wait3A_283, %dma_wait3A_292, %dma_wait3A_293] : memref<2x64x133xf32, #tpu.memory_space<vmem>> -> memref<1x8x128xf32, #tpu.memory_space<vmem>>
    %dma_wait3A_295 = tpu.memref_squeeze %dma_wait3A_294 : memref<1x8x128xf32, #tpu.memory_space<vmem>> -> memref<8x128xf32, #tpu.memory_space<vmem>>
    tpu.wait_dma2 semaphore(%arg12 : memref<!tpu.dma_semaphore, #tpu.memory_space<semaphore_mem>>) src(%dma_wait3A_295 : memref<8x128xf32, #tpu.memory_space<vmem>>) dst(%dma_wait3A_291 : memref<8x128xf32, #tpu.memory_space<hbm>>)
    %add3A_296 = arith.constant 51104 : i32
    %add3A_297 = arith.addi %add3A_296, %add3A : i32
    %mul3A_298 = arith.constant 8 : i32
    %mul3A_299 = arith.muli %add3A_297, %mul3A_298 : i32
    %dma_wait3A_300 = arith.constant 1 : i32
    %dma_wait3A_301 = arith.constant 40 : i32
    %dma_wait3A_302 = arith.constant 0 : i32
    %dma_wait3A_303 = tpu.memref_slice %arg8[%dma_wait3A_300, %dma_wait3A_301, %dma_wait3A_302] : memref<2x64x133xf32, #tpu.memory_space<vmem>> -> memref<1x8x128xf32, #tpu.memory_space<vmem>>
    %dma_wait3A_304 = tpu.memref_squeeze %dma_wait3A_303 : memref<1x8x128xf32, #tpu.memory_space<vmem>> -> memref<8x128xf32, #tpu.memory_space<vmem>>
    %dma_wait3A_305 = arith.constant 0 : i32
    %dma_wait3A_306 = tpu.memref_slice %arg4[%mul3A_299, %dma_wait3A_305] : memref<409600x128xf32, #tpu.memory_space<hbm>> -> memref<8x128xf32, #tpu.memory_space<hbm>>
    %dma_wait3A_307 = arith.constant 0 : i32
    %dma_wait3A_308 = tpu.memref_slice %arg4[%mul3A_299, %dma_wait3A_307] : memref<409600x128xf32, #tpu.memory_space<hbm>> -> memref<8x128xf32, #tpu.memory_space<hbm>>
    %dma_wait3A_309 = arith.constant 40 : i32
    %dma_wait3A_310 = arith.constant 0 : i32
    %dma_wait3A_311 = tpu.memref_slice %arg8[%dma_wait3A_300, %dma_wait3A_309, %dma_wait3A_310] : memref<2x64x133xf32, #tpu.memory_space<vmem>> -> memref<1x8x128xf32, #tpu.memory_space<vmem>>
    %dma_wait3A_312 = tpu.memref_squeeze %dma_wait3A_311 : memref<1x8x128xf32, #tpu.memory_space<vmem>> -> memref<8x128xf32, #tpu.memory_space<vmem>>
    tpu.wait_dma2 semaphore(%arg12 : memref<!tpu.dma_semaphore, #tpu.memory_space<semaphore_mem>>) src(%dma_wait3A_312 : memref<8x128xf32, #tpu.memory_space<vmem>>) dst(%dma_wait3A_308 : memref<8x128xf32, #tpu.memory_space<hbm>>)
    %add3A_313 = arith.constant 51136 : i32
    %add3A_314 = arith.addi %add3A_313, %add3A : i32
    %mul3A_315 = arith.constant 8 : i32
    %mul3A_316 = arith.muli %add3A_314, %mul3A_315 : i32
    %dma_wait3A_317 = arith.constant 1 : i32
    %dma_wait3A_318 = arith.constant 48 : i32
    %dma_wait3A_319 = arith.constant 0 : i32
    %dma_wait3A_320 = tpu.memref_slice %arg8[%dma_wait3A_317, %dma_wait3A_318, %dma_wait3A_319] : memref<2x64x133xf32, #tpu.memory_space<vmem>> -> memref<1x8x128xf32, #tpu.memory_space<vmem>>
    %dma_wait3A_321 = tpu.memref_squeeze %dma_wait3A_320 : memref<1x8x128xf32, #tpu.memory_space<vmem>> -> memref<8x128xf32, #tpu.memory_space<vmem>>
    %dma_wait3A_322 = arith.constant 0 : i32
    %dma_wait3A_323 = tpu.memref_slice %arg4[%mul3A_316, %dma_wait3A_322] : memref<409600x128xf32, #tpu.memory_space<hbm>> -> memref<8x128xf32, #tpu.memory_space<hbm>>
    %dma_wait3A_324 = arith.constant 0 : i32
    %dma_wait3A_325 = tpu.memref_slice %arg4[%mul3A_316, %dma_wait3A_324] : memref<409600x128xf32, #tpu.memory_space<hbm>> -> memref<8x128xf32, #tpu.memory_space<hbm>>
    %dma_wait3A_326 = arith.constant 48 : i32
    %dma_wait3A_327 = arith.constant 0 : i32
    %dma_wait3A_328 = tpu.memref_slice %arg8[%dma_wait3A_317, %dma_wait3A_326, %dma_wait3A_327] : memref<2x64x133xf32, #tpu.memory_space<vmem>> -> memref<1x8x128xf32, #tpu.memory_space<vmem>>
    %dma_wait3A_329 = tpu.memref_squeeze %dma_wait3A_328 : memref<1x8x128xf32, #tpu.memory_space<vmem>> -> memref<8x128xf32, #tpu.memory_space<vmem>>
    tpu.wait_dma2 semaphore(%arg12 : memref<!tpu.dma_semaphore, #tpu.memory_space<semaphore_mem>>) src(%dma_wait3A_329 : memref<8x128xf32, #tpu.memory_space<vmem>>) dst(%dma_wait3A_325 : memref<8x128xf32, #tpu.memory_space<hbm>>)
    %add3A_330 = arith.constant 51168 : i32
    %add3A_331 = arith.addi %add3A_330, %add3A : i32
    %mul3A_332 = arith.constant 8 : i32
    %mul3A_333 = arith.muli %add3A_331, %mul3A_332 : i32
    %dma_wait3A_334 = arith.constant 1 : i32
    %dma_wait3A_335 = arith.constant 56 : i32
    %dma_wait3A_336 = arith.constant 0 : i32
    %dma_wait3A_337 = tpu.memref_slice %arg8[%dma_wait3A_334, %dma_wait3A_335, %dma_wait3A_336] : memref<2x64x133xf32, #tpu.memory_space<vmem>> -> memref<1x8x128xf32, #tpu.memory_space<vmem>>
    %dma_wait3A_338 = tpu.memref_squeeze %dma_wait3A_337 : memref<1x8x128xf32, #tpu.memory_space<vmem>> -> memref<8x128xf32, #tpu.memory_space<vmem>>
    %dma_wait3A_339 = arith.constant 0 : i32
    %dma_wait3A_340 = tpu.memref_slice %arg4[%mul3A_333, %dma_wait3A_339] : memref<409600x128xf32, #tpu.memory_space<hbm>> -> memref<8x128xf32, #tpu.memory_space<hbm>>
    %dma_wait3A_341 = arith.constant 0 : i32
    %dma_wait3A_342 = tpu.memref_slice %arg4[%mul3A_333, %dma_wait3A_341] : memref<409600x128xf32, #tpu.memory_space<hbm>> -> memref<8x128xf32, #tpu.memory_space<hbm>>
    %dma_wait3A_343 = arith.constant 56 : i32
    %dma_wait3A_344 = arith.constant 0 : i32
    %dma_wait3A_345 = tpu.memref_slice %arg8[%dma_wait3A_334, %dma_wait3A_343, %dma_wait3A_344] : memref<2x64x133xf32, #tpu.memory_space<vmem>> -> memref<1x8x128xf32, #tpu.memory_space<vmem>>
    %dma_wait3A_346 = tpu.memref_squeeze %dma_wait3A_345 : memref<1x8x128xf32, #tpu.memory_space<vmem>> -> memref<8x128xf32, #tpu.memory_space<vmem>>
    tpu.wait_dma2 semaphore(%arg12 : memref<!tpu.dma_semaphore, #tpu.memory_space<semaphore_mem>>) src(%dma_wait3A_346 : memref<8x128xf32, #tpu.memory_space<vmem>>) dst(%dma_wait3A_342 : memref<8x128xf32, #tpu.memory_space<hbm>>)
    return
  }
}

</mosaic_0001>

<sc_bundles>
// kernel: kernel.3.cloned.1.call-start
scs
__scs_entry_jumppad:
0x0: {  	(pc) =	sbr.rel $0x88, $3  }
0x1: {  	(tag) =	ssettag $0x0;
	lr =	simm.s32 $0x1  }
0x2: {  	[smem:$0x3F9F] =	sst lr;
	_ =	strace $0xD0000000  }
0x3: {  	_ = 	snop  }
0x4: {  	_ = 	snop  }
0x5: {  	_ = 	snop  }
0x6: {  	_ = 	snop  }
0x7: {  	_ = 	snop  }
__scs_overlays_trampoline_lowered:
0x8: {  	[smem:$0x3FAE] =	sst s0  }
0x9: {  	[smem:$0x3FAF] =	sst s1  }
0xa: {  	[smem:$0x3FB0] =	sst s2  }
0xb: {  	[smem:$0x3FB1] =	sst s3  }
0xc: {  	[smem:$0x3FB2] =	sst s4  }
0xd: {  	[smem:$0x3FB3] =	sst s5  }
0xe: {  	[smem:$0x3FB4] =	sst s6  }
0xf: {  	[smem:$0x3FB5] =	sst s7  }
0x10: {  	[smem:$0x3FB6] =	sst s8  }
0x11: {  	[smem:$0x3FB7] =	sst s9;
	s0 =	simm.s32 @!p0 $0x0  }
0x12: {  	s1 =	sld [smem:$0x3F9D];
	s0 =	simm.s32 @p0 $0x1  }
0x13: {  	[smem:$0x3FB8] =	sst s0;
	s0 =	simm.s32 @!p1 $0x0  }
0x14: {  	s2 =	sld [smem:$0x3F9C];
	s0 =	simm.s32 @p1 $0x1  }
0x15: {  	[smem:$0x3FB9] =	sst s0;
	s0 =	simm.s32 @!p2 $0x0  }
0x16: {  	s3 =	sld [smem:$0x3FDB];
	s0 =	simm.s32 @p2 $0x1  }
0x17: {  	s4 =	simm.s32 $0x1BF5;
	[smem:$0x3FBB] =	sst s0  }
0x18: {  	s0 =	sld [smem:$0x3F9E];
	_ =	swait.ge [sflag:s4], $0x0  }
0x19: {  	s7 =	sld [smem:$0x3F9F]  }
0x1a: {  	s8 =	sadd.s32 $0xFFFFE003, lr  }
0x1b: {  	s9 =	sadd.s32 $0xFFFFFEF7, lr;
	s5 =	simm.s32 $0xFFFFFFFF;
	p2 =	slt.u32 s8, $0xFFFFF086  }
0x1c: {  	p1 =	slt.u32 s9, $0xF7A;
	s5 =	simm.s32 @!p2 $0x0  }
0x1d: {  	s5 =	simm.s32 @p1 $0x1;
	p0 =	seq.s32 s7, s2  }
0x1e: {  	s7 =	smul.u32 @!p0 $0xF7A, s2;
	p2 =	seq.s32 @!p0 s5, $0x0  }
0x1f: {  	s9 =	smul.u32 $0xF7A, s1;
	s8 =	simm.s32 @!p0 $0x1BF5;
	p2 =	por !p2, p0  }
0x20: {  	[sflag:s8] =	ssyncset.s32 @!p0 $0xFFFFF086;
	s6 =	sadd.s32 @!p0 s3, s7;
	s7 =	simm.s32 @!p0 $0x108  }
0x21: {  	s3 =	sadd.s32 s3, s9;
	s6 =	sadd.s32 @!p0 $0x88, s6;
	s7 =	simm.s32 @p2 $0x1082  }
0x22: {  	[simem:s7], [sflag:s8] =	dma.local @!p0 [hbm:s6], $0xF7A  }
0x23: {  	s9 =	sor.u32 $0xD0000000, s2;
	s6 =	simm.s32 $0x108;
	_ =	swait.ge @!p0 [sflag:s8], $0x0  }
0x24: {  	s3 =	sadd.s32 $0x88, s3;
	s6 =	simm.s32 @!p1 $0x1082;
	[sflag:s4] =	ssyncset.s32 $0xFFFFF086  }
0x25: {  	[simem:s6], [sflag:s4] =	dma.local [hbm:s3], $0xF7A  }
0x26: {  	[smem:$0x3F9F] =	sst s1;
	(tag) =	ssettag s2;
	_ =	strace s9  }
0x27: {  	s1 =	sld [smem:$0x3FAF]  }
0x28: {  	s2 =	sld [smem:$0x3FB0]  }
0x29: {  	s4 =	sld [smem:$0x3FB2]  }
0x2a: {  	p0 =	seq.s32 s5, $0x0;
	s5 =	sld [smem:$0x3FB3]  }
0x2b: {  	s6 =	sld [smem:$0x3FB4]  }
0x2c: {  	s7 =	sld [smem:$0x3FB5]  }
0x2d: {  	s3 =	simm.s32 $0x108;
	s8 =	sld [smem:$0x3FB6]  }
0x2e: {  	s3 =	simm.s32 @!p0 $0x1082;
	s9 =	sld [smem:$0x3FB7]  }
0x2f: {  	lr =	sadd.s32 s0, s3;
	s0 =	sld [smem:$0x3FAE]  }
0x30: {  	s3 =	sld [smem:$0x3FB1]  }
0x31: {  	[smem:$0x3FBA] =	sst s10  }
0x32: {  	s10 =	sld [smem:$0x3FB8];
	_ =	sdelay $0x3  }
0x33: {  	p0 =	seq.s32 s10, $0x1;
	s10 =	sld [smem:$0x3FBA];
	_ =	sdelay $0x3  }
0x34: {  	[smem:$0x3FBA] =	sst s10  }
0x35: {  	s10 =	sld [smem:$0x3FB9];
	_ =	sdelay $0x3  }
0x36: {  	p1 =	seq.s32 s10, $0x1;
	s10 =	sld [smem:$0x3FBA];
	_ =	sdelay $0x3  }
0x37: {  	[smem:$0x3FBA] =	sst s10  }
0x38: {  	s10 =	sld [smem:$0x3FBB]  }
0x39: {  	_ = 	snop;
	(pc) =	sbr.ind lr, $3  }
0x3a: {  	_ = 	snop  }
0x3b: {  	_ = 	snop  }
0x3c: {  	p2 =	seq.s32 s10, $0x1;
	s10 =	sld [smem:$0x3FBA]  }
0x3d: {  	_ =	shalt  }
0x3e: {  	_ =	shalt  }
0x3f: {  	_ =	shalt  }
0x40: {  	_ =	shalt  }
0x41: {  	_ =	shalt  }
0x42: {  	_ =	shalt  }
0x43: {  	_ =	shalt  }
0x44: {  	_ =	shalt  }
0x45: {  	_ =	shalt  }
0x46: {  	_ =	shalt  }
0x47: {  	_ =	shalt  }
0x48: {  	_ =	shalt  }
0x49: {  	_ =	shalt  }
0x4a: {  	_ =	shalt  }
0x4b: {  	_ =	shalt  }
0x4c: {  	_ =	shalt  }
0x4d: {  	_ =	shalt  }
0x4e: {  	_ =	shalt  }
0x4f: {  	_ =	shalt  }
0x50: {  	_ =	shalt  }
0x51: {  	_ =	shalt  }
0x52: {  	_ =	shalt  }
0x53: {  	_ =	shalt  }
0x54: {  	_ =	shalt  }
0x55: {  	_ =	shalt  }
0x56: {  	_ =	shalt  }
0x57: {  	_ =	shalt  }
0x58: {  	_ =	shalt  }
0x59: {  	_ =	shalt  }
0x5a: {  	_ =	shalt  }
0x5b: {  	_ =	shalt  }
0x5c: {  	_ =	shalt  }
0x5d: {  	_ =	shalt  }
0x5e: {  	_ =	shalt  }
0x5f: {  	_ =	shalt  }
0x60: {  	_ =	shalt  }
0x61: {  	_ =	shalt  }
0x62: {  	_ =	shalt  }
0x63: {  	_ =	shalt  }
0x64: {  	_ =	shalt  }
0x65: {  	_ =	shalt  }
0x66: {  	_ =	shalt  }
0x67: {  	_ =	shalt  }
0x68: {  	_ =	shalt  }
0x69: {  	_ =	shalt  }
0x6a: {  	_ =	shalt  }
0x6b: {  	_ =	shalt  }
0x6c: {  	_ =	shalt  }
0x6d: {  	_ =	shalt  }
0x6e: {  	_ =	shalt  }
0x6f: {  	_ =	shalt  }
0x70: {  	_ =	shalt  }
0x71: {  	_ =	shalt  }
0x72: {  	_ =	shalt  }
0x73: {  	_ =	shalt  }
0x74: {  	_ =	shalt  }
0x75: {  	_ =	shalt  }
0x76: {  	_ =	shalt  }
0x77: {  	_ =	shalt  }
0x78: {  	_ =	shalt  }
0x79: {  	_ =	shalt  }
0x7a: {  	_ =	shalt  }
0x7b: {  	_ =	shalt  }
0x7c: {  	_ =	shalt  }
0x7d: {  	_ =	shalt  }
0x7e: {  	_ =	shalt  }
0x7f: {  	_ =	shalt  }
0x80: {  	_ =	shalt  }
0x81: {  	_ =	shalt  }
0x82: {  	_ =	shalt  }
0x83: {  	_ =	shalt  }
0x84: {  	_ =	shalt  }
0x85: {  	_ =	shalt  }
0x86: {  	_ =	shalt  }
0x87: {  	_ =	shalt  }
.Lfunc_end0:
.L_simem_size_0:
called_computation_lowered:
.L_overlay_start_0:
0x88: {  	s2 =	sld [smem:$0x3FD9]  }
0x89: {  	s3 =	sld [smem:$0x3FFE];
	_ =	sdelay $0x1  }
0x8a: {  	s1 =	srdreg.scid  }
0x8b: {  	s0 =	sand.u32 $0x1, s1  }
0x8c: {  	s17 =	sshll.u32 s0, $0xA;
	s2 =	sadd.s32 s3, s2  }
0x8d: {  	s2 =	sadd.s32 s2, s17  }
0x8e: {  	[smem:$0x3FC6] =	sst s2  }
0x8f: {  	_ = 	snop  }
0x90: {  	s2 =	sld [smem:$0x3FD0];
	(tm) =	ssettm $0x1  }
0x91: {  	s18 =	sld [smem:$0x3FFB];
	_ =	sdelay $0x3  }
0x92: {  	_ =	strace s18  }
0x93: {  	s3 =	sld [smem:$0x3FFC];
	_ =	sdelay $0x3  }
0x94: {  	_ =	strace s3  }
0x95: {  	s3 =	sld [smem:$0x3FFD];
	_ =	sdelay $0x3  }
0x96: {  	_ =	strace s3  }
0x97: {  	_ =	strace $0x8FFFFFFF  }
0x98: {  	s19 =	sld [smem:$0x3FDB];
	_ =	sdelay $0x1  }
0x99: {  	s4 =	simm.s32 $_scs_section_size  }
0x9a: {  	s5 =	simm.s32 $_size__tile_overlayer_lowered;
	s6 =	simm.s32 $_tile_overlayer_lowered  }
0x9b: {  	s22 =	simm.s32 $0x1BFF;
	s21 =	sshll.u32 s6, $0x1;
	s3 =	sadd.s32 s4, s19  }
0x9c: {  	s7 =	simm.s32 $0x0;
	s20 =	sshll.u32 s5, $0x1;
	s5 =	sadd.s32 s21, s3  }
0x9d: {  	[timem:s7], [sflag:s22] =	dma.local [hbm:s5], s20  }
0x9e: {  	_ =	swait.ge [sflag:s22], s20  }
0x9f: {  	s4 =	ssub.s32 $0x0, s20;
	[sflag:s22] =	ssyncset.done $0x0  }
0xa0: {  	[sflag:s22] =	ssyncadd.s32 s4;
	_ =	sdelay $0x1  }
0xa1: {  	s23 =	simm.s32 $0x1B8B  }
0xa2: {  	_ =	swait.ge [sflag:s23], $0x1  }
0xa3: {  	[sflag:s23] =	ssyncset.done $0x0  }
0xa4: {  	s25 =	simm.s32 $0x1B8E;
	s24 =	sld [smem:$0x3FFE];
	[sflag:s23] =	ssyncadd.s32 $0xFFFFFFFF  }
0xa5: {  	s26 =	simm.s32 $execute0_lowered;
	[smem:$0x3FD2] =	sst s25  }
0xa6: {  	s5 =	sshll.u32 s26, $0x1;
	_ =	strace $0x80000046;
	[dreg:$0x1] =	wrdreg $0xFFFFFFFF  }
0xa7: {  	s28 =	simm.s32 $_size_execute0_lowered;
	s3 =	sadd.s32 s3, s5;
	[dreg:$0x0] =	wrdreg $0x0  }
0xa8: {  	s5 =	sshll.u32 s28, $0x1;
	[dreg:$0x2] =	wrdreg s3  }
0xa9: {  	[dreg:$0x3] =	wrdreg s5  }
0xaa: {  	[dreg:$0x4] =	wrdreg $0xC0  }
0xab: {  	_ =	task [dreg:s7], $0x5FFFF  }
0xac: {  	[dreg:$0x1] =	wrdreg $0xFFFFFFFF  }
0xad: {  	[dreg:$0x0] =	wrdreg $0x60  }
0xae: {  	[dreg:$0x2] =	wrdreg s24  }
0xaf: {  	[dreg:$0x3] =	wrdreg s2  }
0xb0: {  	[dreg:$0x4] =	wrdreg $0x9  }
0xb1: {  	_ =	task.clear_ibuf [dreg:s7], $0x5FFFF;
	_ =	strace $0x90000046  }
0xb2: {  	s29 =	simm.s32 $0x9;
	_ =	strace $0x80000048  }
0xb3: {  	_ =	swait.ge [sflag:s29], $0x1  }
0xb4: {  	[sflag:s29] =	ssyncadd.s32 $0xFFFFFFFF  }
0xb5: {  	_ =	strace $0x90000048  }
0xb6: {  	_ =	sfence  }
0xb7: {  	s30 =	sld [smem:$0x0];
	_ =	sdelay $0x2  }
0xb8: {  	s31 =	sshll.u32 s1, $0xD;
	s1 =	sshrl.u32 s1, $0x2  }
0xb9: {  	s3 =	sand.u32 $0x4000, s31;
	s1 =	sadd.s32 s1, s30  }
0xba: {  	s0 =	sor.u32 s3, s0;
	s1 =	sshll.u32 s1, $0x11  }
0xbb: {  	s0 =	sor.u32 s1, s0  }
0xbc: {  	s0 =	sadd.s32 $0x8F2B, s0  }
0xbd: {  	[sflag:s0] =	ssyncadd.remote.s32 $0x1  }
0xbe: {  	_ =	sfence.sel $0xFFFF  }
0xbf: {  	[dreg:$0x0] =	wrdreg $0xFFFFFFFF;
	(pc) =	sbr.abs _section_cstart, $3  }
0xc0: {  	[dreg:$0x1] =	wrdreg $0xFFFFFFFF  }
0xc1: {  	_ =	task.clear_ibuf [dreg:s7], $0x2FFFF;
	_ =	strace $0x9FFFFFFF  }
0xc2: {  	(tm) =	ssettm $0x7FFFFFFF  }
0xc3: {  	_ =	shalt  }
tec
execute0_lowered:
.L_overlay_start_1:
0x0: {  	(tag) =	ssettag $0x1  }
0x1: {  	s0 =	srdreg.scid  }
0x2: {  	s2 =	stileid.u32;
	s1 =	rddreg [dreg:$0x0]  }
0x3: {  	s16 =	simm.s32 $0x6400;
	s19 =	simm.s32 $0x1;
	s21 =	simm.s32 $0x10E40  }
0x4: {  	s14 =	simm.s32 $0x2;
	s15 =	simm.s32 $0x13040;
	s18 =	simm.s32 $0x14F10  }
0x5: {  	s17 =	simm.s32 $0x14F98;
	s20 =	simm.s32 $0x150A8;
	s22 =	simm.s32 $0x15130  }
0x6: {  	s23 =	simm.s32 $0x151B8;
	s24 =	simm.s32 $0x4;
	s25 =	simm.s32 $0x0  }
0x7: {  	s0 =	sand.u32 $0x1, s0;
	s3 =	sshll.u32 s2, $0x1;
	s2 =	rddreg [dreg:$0x1]  }
0x8: {  	s5 =	sor.u32 s0, s3;
	s3 =	simm.s32 $0x0;
	s0 =	ssub.s32 $0x2, s0  }
0x9: {  	v0 =	vlaneseq.u32;
	s8 =	sadd.s32 $0x2000, s2;
	s9 =	sadd.s32 $0x3000, s2;
	s10 =	sadd.s32 $0x4000, s2  }
0xa: {  	v0 =	vmul.u32 $0x88, v0;
	s11 =	sadd.s32 $0x5000, s2;
	s12 =	sadd.s32 $0x6000, s2;
	s13 =	sadd.s32 $0x7000, s2  }
0xb: {  	s4 =	smul.u32 $0xC80, s5;
	[smem:$0x7FF] =	sst s3;
	s7 =	sshrl.u32 s0, $0x1  }
0xc: {  	v1 =	vadd.s32 $0x880, v0;
	v2 =	vadd.s32 $0x1100, v0;
	v3 =	vadd.s32 $0x1980, v0;
	_ =	strace $0x80000047;
	s0 =	ssub.s32 s0, s7;
	s7 =	sadd.s32 $0x1000, s2  }
0xd: {  	v4 =	vadd.s32 $0x2200, v0;
	v5 =	vadd.s32 $0x2A80, v0;
	v6 =	vadd.s32 $0x3300, v0;
	s6 =	sadd.s32 s4, s1;
	s4 =	sadd.s32 $0xF42A00, s1;
	s0 =	smax.u32 s0, $0x1  }
0xe: {  	v7 =	vadd.s32 $0x3B80, v0;
	v8 =	vadd.s32 $0x4400, v0;
	v9 =	vadd.s32 $0x4C80, v0;
	s31 =	sadd.s32 $0x600, s6;
	s6 =	sshll.u32 s5, $0x7;
	[dreg:$0x4] =	wrdreg s0  }
0xf: {  	v10 =	vadd.s32 $0x5500, v0;
	v11 =	vadd.s32 $0x5D80, v0;
	v12 =	vadd.s32 $0x61C0, v0;
	s0 =	simm.s32 $0x14E88;
	s5 =	simm.s32 $0x15020;
	[dreg:$0x3] =	wrdreg s31  }
.LBB2_1:
0x10: {  	[dreg:$0x5] =	wrdreg s25  }
0x11: {  	s1 =	rddreg [dreg:$0x3];
	s31 =	simm.s32 $0x5  }
0x12: {  	[tilespmem:s3], [sflag:$0x5] =	stream.linear.gather [hbm4b:s1+s3], $0x6400, $0x38;
	[tilespmem:$0x15240] =	vst v63  }
0x13: {  	_ =	swait.ge [sflag:s31], $0x6400  }
0x14: {  	v13 =	vmov s3;
	[sflag:s31] =	ssyncset.done $0x0  }
0x15: {  	s25 =	simm.s32 $0x60;
	v14 =	vand.u32 $0x7F, v13;
	[sflag:s31] =	ssyncadd.s32 $0xFFFF9C00  }
0x16: {  	v15 =	vadd.s32 v0, v14;
	v13 =	vld [tilespmem:s25+$0xFFFFFFA0];
	_ =	sdelay $0x4  }
0x17: {  	[tilespmem:v15+s16+$0x0] =	vst.idx.msk $0xffff, v13  }
0x18: {  	v15 =	vadd.s32 v1, v14;
	v13 =	vld [tilespmem:s25+$0xFFFFFFB0];
	_ =	sdelay $0x4  }
0x19: {  	[tilespmem:v15+s16+$0x0] =	vst.idx.msk $0xffff, v13  }
0x1a: {  	v15 =	vadd.s32 v2, v14;
	v13 =	vld [tilespmem:s25+$0xFFFFFFC0];
	_ =	sdelay $0x4  }
0x1b: {  	[tilespmem:v15+s16+$0x0] =	vst.idx.msk $0xffff, v13  }
0x1c: {  	v15 =	vadd.s32 v3, v14;
	v13 =	vld [tilespmem:s25+$0xFFFFFFD0];
	_ =	sdelay $0x4  }
0x1d: {  	[tilespmem:v15+s16+$0x0] =	vst.idx.msk $0xffff, v13  }
0x1e: {  	v15 =	vadd.s32 v4, v14;
	v13 =	vld [tilespmem:s25+$0xFFFFFFE0];
	_ =	sdelay $0x4  }
0x1f: {  	[tilespmem:v15+s16+$0x0] =	vst.idx.msk $0xffff, v13  }
0x20: {  	v15 =	vadd.s32 v5, v14;
	v13 =	vld [tilespmem:s25+$0xFFFFFFF0];
	_ =	sdelay $0x4  }
0x21: {  	[tilespmem:v15+s16+$0x0] =	vst.idx.msk $0xffff, v13  }
0x22: {  	v15 =	vadd.s32 v6, v14;
	v13 =	vld [tilespmem:s25+$0x0];
	_ =	sdelay $0x4  }
0x23: {  	[tilespmem:v15+s16+$0x0] =	vst.idx.msk $0xffff, v13  }
0x24: {  	v15 =	vadd.s32 v7, v14;
	v13 =	vld [tilespmem:s25+$0x10];
	_ =	sdelay $0x4  }
0x25: {  	[tilespmem:v15+s16+$0x0] =	vst.idx.msk $0xffff, v13  }
0x26: {  	v15 =	vadd.s32 v8, v14;
	v13 =	vld [tilespmem:s25+$0x20];
	_ =	sdelay $0x4  }
0x27: {  	[tilespmem:v15+s16+$0x0] =	vst.idx.msk $0xffff, v13  }
0x28: {  	v15 =	vadd.s32 v9, v14;
	v13 =	vld [tilespmem:s25+$0x30];
	_ =	sdelay $0x4  }
0x29: {  	[tilespmem:v15+s16+$0x0] =	vst.idx.msk $0xffff, v13  }
0x2a: {  	v15 =	vadd.s32 v10, v14;
	v13 =	vld [tilespmem:s25+$0x40];
	_ =	sdelay $0x4  }
0x2b: {  	[tilespmem:v15+s16+$0x0] =	vst.idx.msk $0xffff, v13  }
0x2c: {  	v15 =	vadd.s32 v11, v14;
	v13 =	vld [tilespmem:s25+$0x50];
	_ =	sdelay $0x4  }
0x2d: {  	[tilespmem:v15+s16+$0x0] =	vst.idx.msk $0xffff, v13  }
0x2e: {  	v14 =	vadd.s32 v12, v14;
	v13 =	vld [tilespmem:s25+$0x58];
	_ =	sdelay $0x2  }
0x2f: {  	s26 =	simm.s32 $0x1  }
0x30: {  	v15 =	vmov s26;
	s26 =	simm.s32 $0x2  }
.LBB2_2:
0x31: {  	p0 =	sne.s32 s26, $0x7F;
	v15 =	vand.u32 $0x7F, v15;
	[tilespmem:v14+s16+$0x0] =	vst.idx.msk $0xffff, v13;
	s25 =	sadd.s32 $0xC8, s25  }
0x32: {  	v13 =	vld [tilespmem:s25+$0xFFFFFFA0];
	v14 =	vadd.s32 v0, v15;
	_ =	sdelay $0x4  }
0x33: {  	[tilespmem:v14+s16+$0x0] =	vst.idx.msk $0xffff, v13  }
0x34: {  	v14 =	vadd.s32 v1, v15;
	v13 =	vld [tilespmem:s25+$0xFFFFFFB0];
	_ =	sdelay $0x4  }
0x35: {  	[tilespmem:v14+s16+$0x0] =	vst.idx.msk $0xffff, v13  }
0x36: {  	v14 =	vadd.s32 v2, v15;
	v13 =	vld [tilespmem:s25+$0xFFFFFFC0];
	_ =	sdelay $0x4  }
0x37: {  	[tilespmem:v14+s16+$0x0] =	vst.idx.msk $0xffff, v13  }
0x38: {  	v14 =	vadd.s32 v3, v15;
	v13 =	vld [tilespmem:s25+$0xFFFFFFD0];
	_ =	sdelay $0x4  }
0x39: {  	[tilespmem:v14+s16+$0x0] =	vst.idx.msk $0xffff, v13  }
0x3a: {  	v14 =	vadd.s32 v4, v15;
	v13 =	vld [tilespmem:s25+$0xFFFFFFE0];
	_ =	sdelay $0x4  }
0x3b: {  	[tilespmem:v14+s16+$0x0] =	vst.idx.msk $0xffff, v13  }
0x3c: {  	v14 =	vadd.s32 v5, v15;
	v13 =	vld [tilespmem:s25+$0xFFFFFFF0];
	_ =	sdelay $0x4  }
0x3d: {  	[tilespmem:v14+s16+$0x0] =	vst.idx.msk $0xffff, v13  }
0x3e: {  	v14 =	vadd.s32 v6, v15;
	v13 =	vld [tilespmem:s25+$0x0];
	_ =	sdelay $0x4  }
0x3f: {  	[tilespmem:v14+s16+$0x0] =	vst.idx.msk $0xffff, v13  }
0x40: {  	v14 =	vadd.s32 v7, v15;
	v13 =	vld [tilespmem:s25+$0x10];
	_ =	sdelay $0x4  }
0x41: {  	[tilespmem:v14+s16+$0x0] =	vst.idx.msk $0xffff, v13  }
0x42: {  	v14 =	vadd.s32 v8, v15;
	v13 =	vld [tilespmem:s25+$0x20];
	_ =	sdelay $0x4  }
0x43: {  	[tilespmem:v14+s16+$0x0] =	vst.idx.msk $0xffff, v13  }
0x44: {  	v14 =	vadd.s32 v9, v15;
	v13 =	vld [tilespmem:s25+$0x30];
	_ =	sdelay $0x4  }
0x45: {  	[tilespmem:v14+s16+$0x0] =	vst.idx.msk $0xffff, v13  }
0x46: {  	v14 =	vadd.s32 v10, v15;
	v13 =	vld [tilespmem:s25+$0x40];
	_ =	sdelay $0x4  }
0x47: {  	[tilespmem:v14+s16+$0x0] =	vst.idx.msk $0xffff, v13  }
0x48: {  	v14 =	vadd.s32 v11, v15;
	v13 =	vld [tilespmem:s25+$0x50];
	_ =	sdelay $0x4  }
0x49: {  	[tilespmem:v14+s16+$0x0] =	vst.idx.msk $0xffff, v13  }
.Ltmp0:
0x4a: {  	v14 =	vadd.s32 v12, v15;
	v13 =	vld [tilespmem:s25+$0x58];
	(pc) =	sbr.rel @p0 .LBB2_2-.Ltmp0, $2  }
0x4b: {  	_ =	sdelay $0x2  }
0x4c: {  	v15 =	vmov s26;
	s26 =	sadd.s32 $0x1, s26  }
0x4d: {  	_ =	sdelay $0x3  }
0x4e: {  	v15 =	vand.u32 $0x7F, v15;
	[tilespmem:v14+s16+$0x0] =	vst.idx.msk $0xffff, v13;
	s25 =	sadd.s32 $0xC8, s25  }
0x4f: {  	v13 =	vld [tilespmem:s25+$0xFFFFFFA0];
	v14 =	vadd.s32 v0, v15;
	_ =	sdelay $0x4  }
0x50: {  	[tilespmem:v14+s16+$0x0] =	vst.idx.msk $0xffff, v13  }
0x51: {  	v14 =	vadd.s32 v1, v15;
	v13 =	vld [tilespmem:s25+$0xFFFFFFB0];
	_ =	sdelay $0x4  }
0x52: {  	[tilespmem:v14+s16+$0x0] =	vst.idx.msk $0xffff, v13  }
0x53: {  	v14 =	vadd.s32 v2, v15;
	v13 =	vld [tilespmem:s25+$0xFFFFFFC0];
	_ =	sdelay $0x4  }
0x54: {  	[tilespmem:v14+s16+$0x0] =	vst.idx.msk $0xffff, v13  }
0x55: {  	v14 =	vadd.s32 v3, v15;
	v13 =	vld [tilespmem:s25+$0xFFFFFFD0];
	_ =	sdelay $0x4  }
0x56: {  	[tilespmem:v14+s16+$0x0] =	vst.idx.msk $0xffff, v13  }
0x57: {  	v14 =	vadd.s32 v4, v15;
	v13 =	vld [tilespmem:s25+$0xFFFFFFE0];
	_ =	sdelay $0x4  }
0x58: {  	[tilespmem:v14+s16+$0x0] =	vst.idx.msk $0xffff, v13  }
0x59: {  	v14 =	vadd.s32 v5, v15;
	v13 =	vld [tilespmem:s25+$0xFFFFFFF0];
	_ =	sdelay $0x4  }
0x5a: {  	[tilespmem:v14+s16+$0x0] =	vst.idx.msk $0xffff, v13  }
0x5b: {  	v14 =	vadd.s32 v6, v15;
	v13 =	vld [tilespmem:s25+$0x0];
	_ =	sdelay $0x4  }
0x5c: {  	[tilespmem:v14+s16+$0x0] =	vst.idx.msk $0xffff, v13  }
0x5d: {  	v14 =	vadd.s32 v7, v15;
	v13 =	vld [tilespmem:s25+$0x10];
	_ =	sdelay $0x4  }
0x5e: {  	[tilespmem:v14+s16+$0x0] =	vst.idx.msk $0xffff, v13  }
0x5f: {  	v14 =	vadd.s32 v8, v15;
	v13 =	vld [tilespmem:s25+$0x20];
	_ =	sdelay $0x4  }
0x60: {  	[tilespmem:v14+s16+$0x0] =	vst.idx.msk $0xffff, v13  }
0x61: {  	v14 =	vadd.s32 v9, v15;
	v13 =	vld [tilespmem:s25+$0x30];
	_ =	sdelay $0x4  }
0x62: {  	[tilespmem:v14+s16+$0x0] =	vst.idx.msk $0xffff, v13  }
0x63: {  	v14 =	vadd.s32 v10, v15;
	v13 =	vld [tilespmem:s25+$0x40];
	_ =	sdelay $0x4  }
0x64: {  	[tilespmem:v14+s16+$0x0] =	vst.idx.msk $0xffff, v13  }
0x65: {  	v14 =	vadd.s32 v11, v15;
	v13 =	vld [tilespmem:s25+$0x50];
	_ =	sdelay $0x4  }
0x66: {  	[tilespmem:v14+s16+$0x0] =	vst.idx.msk $0xffff, v13  }
0x67: {  	v14 =	vadd.s32 v12, v15;
	v13 =	vld [tilespmem:s25+$0x58];
	_ =	sdelay $0x3  }
0x68: {  	s1 =	simm.s32 $0x80  }
0x69: {  	s31 =	simm.s32 $0xCE40;
	s26 =	simm.s32 $0x0;
	s25 =	simm.s32 $0x0;
	[tilespmem:v14+s16+$0x0] =	vst.idx.msk $0xffff, v13  }
0x6a: {  	[tilespmem:s31], [sflag:$0x1] =	stream.indirect.gather [hbm4b:s4+s1], $0x40, s16, s1, $0xb8;
	[tilespmem:$0x15240] =	vst v63  }
.LBB2_4:
0x6b: {  	s28 =	sshllo.u32 s26, $0x1  }
0x6c: {  	s29 =	smul.u32 $0x220, s28  }
0x6d: {  	_ =	swait.ge [sflag:s19], $0x2000;
	s1 =	simm.s32 $0x80  }
0x6e: {  	s30 =	simm.s32 $0xEE40;
	[sflag:s19] =	ssyncset.done $0x0;
	s29 =	sshra.s32 s29, $0x2  }
0x6f: {  	p0 =	seq.s32 s26, $0x0;
	[sflag:s19] =	ssyncadd.s32 $0xFFFFE000;
	s29 =	sadd.s32 $0x6400, s29  }
0x70: {  	[tilespmem:s30], [sflag:$0x2] =	stream.indirect.gather [hbm4b:s4+s1], $0x40, s29, s1, $0xb8;
	[tilespmem:$0x15240] =	vst v63  }
0x71: {  	s29 =	simm.s32 @!p0 $0x3  }
0x72: {  	_ =	swait.ge @!p0 [sflag:s29], $0x400  }
0x73: {  	[sflag:s29] =	ssyncset.done @!p0 $0x0  }
0x74: {  	[sflag:s29] =	ssyncadd.s32 @!p0 $0xFFFFFC00  }
0x75: {  	_ =	swait.ge @!p0 [sflag:s29], $0x400  }
0x76: {  	[sflag:s29] =	ssyncset.done @!p0 $0x0  }
0x77: {  	[sflag:s29] =	ssyncadd.s32 @!p0 $0xFFFFFC00  }
0x78: {  	_ =	swait.ge @!p0 [sflag:s29], $0x400  }
0x79: {  	[sflag:s29] =	ssyncset.done @!p0 $0x0  }
0x7a: {  	[sflag:s29] =	ssyncadd.s32 @!p0 $0xFFFFFC00  }
0x7b: {  	_ =	swait.ge @!p0 [sflag:s29], $0x400  }
0x7c: {  	[sflag:s29] =	ssyncset.done @!p0 $0x0  }
0x7d: {  	[sflag:s29] =	ssyncadd.s32 @!p0 $0xFFFFFC00  }
0x7e: {  	_ =	swait.ge @!p0 [sflag:s29], $0x400  }
0x7f: {  	[sflag:s29] =	ssyncset.done @!p0 $0x0  }
0x80: {  	[sflag:s29] =	ssyncadd.s32 @!p0 $0xFFFFFC00  }
0x81: {  	_ =	swait.ge @!p0 [sflag:s29], $0x400  }
0x82: {  	[sflag:s29] =	ssyncset.done @!p0 $0x0  }
0x83: {  	[sflag:s29] =	ssyncadd.s32 @!p0 $0xFFFFFC00  }
0x84: {  	_ =	swait.ge @!p0 [sflag:s29], $0x400  }
0x85: {  	[sflag:s29] =	ssyncset.done @!p0 $0x0  }
0x86: {  	[sflag:s29] =	ssyncadd.s32 @!p0 $0xFFFFFC00  }
0x87: {  	_ =	swait.ge @!p0 [sflag:s29], $0x400  }
0x88: {  	v13 =	vmov s25;
	[sflag:s29] =	ssyncset.done @!p0 $0x0  }
0x89: {  	v13 =	vand.u32 $0x7E, v13;
	[sflag:s29] =	ssyncadd.s32 @!p0 $0xFFFFFC00;
	s29 =	simm.s32 $0xCE80  }
0x8a: {  	v15 =	vadd.s32 v0, v13;
	v14 =	vld [tilespmem:s29+$0xFFFFFFC0];
	_ =	sdelay $0x4  }
0x8b: {  	[tilespmem:v15+s21+$0x0] =	vst.idx.msk $0xffff, v14  }
0x8c: {  	v15 =	vadd.s32 v1, v13;
	v14 =	vld [tilespmem:s29+$0xFFFFFFD0];
	_ =	sdelay $0x4  }
0x8d: {  	[tilespmem:v15+s21+$0x0] =	vst.idx.msk $0xffff, v14  }
0x8e: {  	v15 =	vadd.s32 v2, v13;
	v14 =	vld [tilespmem:s29+$0xFFFFFFE0];
	_ =	sdelay $0x4  }
0x8f: {  	[tilespmem:v15+s21+$0x0] =	vst.idx.msk $0xffff, v14  }
0x90: {  	v13 =	vadd.s32 v3, v13;
	v14 =	vld [tilespmem:s29+$0xFFFFFFF0];
	_ =	sdelay $0x2  }
0x91: {  	s30 =	simm.s32 $0x1  }
0x92: {  	v15 =	vmov s30  }
0x93: {  	[tilespmem:v13+s21+$0x0] =	vst.idx.msk $0xffff, v14;
	v14 =	vand.u32 $0x7F, v15  }
0x94: {  	v13 =	vld [tilespmem:s29+$0x0];
	v15 =	vadd.s32 v0, v14;
	_ =	sdelay $0x4  }
0x95: {  	[tilespmem:v15+s21+$0x0] =	vst.idx.msk $0xffff, v13  }
0x96: {  	v15 =	vadd.s32 v1, v14;
	v13 =	vld [tilespmem:s29+$0x10];
	_ =	sdelay $0x4  }
0x97: {  	[tilespmem:v15+s21+$0x0] =	vst.idx.msk $0xffff, v13  }
0x98: {  	v15 =	vadd.s32 v2, v14;
	v13 =	vld [tilespmem:s29+$0x20];
	_ =	sdelay $0x4  }
0x99: {  	[tilespmem:v15+s21+$0x0] =	vst.idx.msk $0xffff, v13  }
0x9a: {  	v14 =	vadd.s32 v3, v14;
	v13 =	vld [tilespmem:s29+$0x30];
	_ =	sdelay $0x2  }
0x9b: {  	s30 =	simm.s32 $0x2  }
0x9c: {  	s31 =	simm.s32 $0x4;
	v15 =	vmov s30  }
.LBB2_5:
0x9d: {  	p0 =	sne.s32 s31, $0x7E;
	v15 =	vand.u32 $0x7E, v15;
	[tilespmem:v14+s21+$0x0] =	vst.idx.msk $0xffff, v13;
	s29 =	sadd.s32 $0x80, s29  }
0x9e: {  	v13 =	vld [tilespmem:s29+$0xFFFFFFC0];
	v14 =	vadd.s32 v0, v15;
	_ =	sdelay $0x4  }
0x9f: {  	[tilespmem:v14+s21+$0x0] =	vst.idx.msk $0xffff, v13  }
0xa0: {  	v14 =	vadd.s32 v1, v15;
	v13 =	vld [tilespmem:s29+$0xFFFFFFD0];
	_ =	sdelay $0x4  }
0xa1: {  	[tilespmem:v14+s21+$0x0] =	vst.idx.msk $0xffff, v13  }
0xa2: {  	v14 =	vadd.s32 v2, v15;
	v13 =	vld [tilespmem:s29+$0xFFFFFFE0];
	_ =	sdelay $0x4  }
0xa3: {  	[tilespmem:v14+s21+$0x0] =	vst.idx.msk $0xffff, v13  }
0xa4: {  	v14 =	vadd.s32 v3, v15;
	v13 =	vld [tilespmem:s29+$0xFFFFFFF0];
	_ =	sdelay $0x2  }
0xa5: {  	s1 =	sadd.s32 $0x1, s30;
	s30 =	smov.u32 s31  }
0xa6: {  	v15 =	vmov s1  }
0xa7: {  	[tilespmem:v14+s21+$0x0] =	vst.idx.msk $0xffff, v13;
	v14 =	vand.u32 $0x7F, v15  }
0xa8: {  	v13 =	vld [tilespmem:s29+$0x0];
	v15 =	vadd.s32 v0, v14;
	_ =	sdelay $0x4  }
0xa9: {  	[tilespmem:v15+s21+$0x0] =	vst.idx.msk $0xffff, v13  }
0xaa: {  	v15 =	vadd.s32 v1, v14;
	v13 =	vld [tilespmem:s29+$0x10];
	_ =	sdelay $0x4  }
0xab: {  	[tilespmem:v15+s21+$0x0] =	vst.idx.msk $0xffff, v13  }
0xac: {  	v15 =	vadd.s32 v2, v14;
	v13 =	vld [tilespmem:s29+$0x20];
	_ =	sdelay $0x4  }
0xad: {  	[tilespmem:v15+s21+$0x0] =	vst.idx.msk $0xffff, v13  }
.Ltmp1:
0xae: {  	v14 =	vadd.s32 v3, v14;
	v13 =	vld [tilespmem:s29+$0x30];
	(pc) =	sbr.rel @p0 .LBB2_5-.Ltmp1, $2  }
0xaf: {  	_ =	sdelay $0x2  }
0xb0: {  	s31 =	sadd.s32 $0x2, s31;
	v15 =	vmov s30  }
0xb1: {  	_ =	sdelay $0x3  }
0xb2: {  	v15 =	vand.u32 $0x7E, v15;
	[tilespmem:v14+s21+$0x0] =	vst.idx.msk $0xffff, v13;
	s1 =	sadd.s32 $0x80, s29  }
0xb3: {  	v13 =	vld [tilespmem:s1+$0xFFFFFFC0];
	v14 =	vadd.s32 v0, v15;
	_ =	sdelay $0x4  }
0xb4: {  	[tilespmem:v14+s21+$0x0] =	vst.idx.msk $0xffff, v13  }
0xb5: {  	v14 =	vadd.s32 v1, v15;
	v13 =	vld [tilespmem:s1+$0xFFFFFFD0];
	_ =	sdelay $0x4  }
0xb6: {  	[tilespmem:v14+s21+$0x0] =	vst.idx.msk $0xffff, v13  }
0xb7: {  	v14 =	vadd.s32 v2, v15;
	v13 =	vld [tilespmem:s1+$0xFFFFFFE0];
	_ =	sdelay $0x4  }
0xb8: {  	[tilespmem:v14+s21+$0x0] =	vst.idx.msk $0xffff, v13  }
0xb9: {  	v14 =	vadd.s32 v3, v15;
	v13 =	vld [tilespmem:s1+$0xFFFFFFF0];
	_ =	sdelay $0x2  }
0xba: {  	s29 =	sadd.s32 $0x1, s30  }
0xbb: {  	v15 =	vmov s29  }
0xbc: {  	[tilespmem:v14+s21+$0x0] =	vst.idx.msk $0xffff, v13;
	v13 =	vand.u32 $0x7F, v15  }
0xbd: {  	v14 =	vld [tilespmem:s1+$0x0];
	v15 =	vadd.s32 v0, v13;
	_ =	sdelay $0x4  }
0xbe: {  	[tilespmem:v15+s21+$0x0] =	vst.idx.msk $0xffff, v14  }
0xbf: {  	v15 =	vadd.s32 v1, v13;
	v14 =	vld [tilespmem:s1+$0x10];
	_ =	sdelay $0x4  }
0xc0: {  	[tilespmem:v15+s21+$0x0] =	vst.idx.msk $0xffff, v14  }
0xc1: {  	v15 =	vadd.s32 v2, v13;
	v14 =	vld [tilespmem:s1+$0x20];
	_ =	sdelay $0x4  }
0xc2: {  	[tilespmem:v15+s21+$0x0] =	vst.idx.msk $0xffff, v14  }
0xc3: {  	v13 =	vadd.s32 v3, v13;
	v14 =	vld [tilespmem:s1+$0x30];
	_ =	sdelay $0x2  }
0xc4: {  	s1 =	sshll.u32 s26, $0x10  }
0xc5: {  	s29 =	sor.u32 s6, s1  }
0xc6: {  	s1 =	sadd.s32 s2, s29;
	[tilespmem:v13+s21+$0x0] =	vst.idx.msk $0xffff, v14  }
0xc7: {  	[hbm4b:s1+s3] =	stream.linear.scatter [tilespmem:s21], [sflag:$0x3], $0x80, $0x38;
	[tilespmem:$0x15240] =	vst v63  }
0xc8: {  	s31 =	simm.s32 $0x10EC8;
	s30 =	sadd.s32 $0x10, s1  }
0xc9: {  	[hbm4b:s30+s3] =	stream.linear.scatter [tilespmem:s31], [sflag:$0x3], $0x80, $0x38;
	[tilespmem:$0x15240] =	vst v63  }
0xca: {  	s30 =	sadd.s32 $0x20, s1;
	s31 =	simm.s32 $0x10F50  }
0xcb: {  	[hbm4b:s30+s3] =	stream.linear.scatter [tilespmem:s31], [sflag:$0x3], $0x80, $0x38;
	[tilespmem:$0x15240] =	vst v63  }
0xcc: {  	s30 =	sadd.s32 $0x30, s1;
	s31 =	simm.s32 $0x10FD8  }
0xcd: {  	[hbm4b:s30+s3] =	stream.linear.scatter [tilespmem:s31], [sflag:$0x3], $0x80, $0x38;
	[tilespmem:$0x15240] =	vst v63  }
0xce: {  	s30 =	sadd.s32 $0x40, s1;
	s31 =	simm.s32 $0x11060  }
0xcf: {  	[hbm4b:s30+s3] =	stream.linear.scatter [tilespmem:s31], [sflag:$0x3], $0x80, $0x38;
	[tilespmem:$0x15240] =	vst v63  }
0xd0: {  	s30 =	sadd.s32 $0x50, s1;
	s31 =	simm.s32 $0x110E8  }
0xd1: {  	[hbm4b:s30+s3] =	stream.linear.scatter [tilespmem:s31], [sflag:$0x3], $0x80, $0x38;
	[tilespmem:$0x15240] =	vst v63  }
0xd2: {  	s30 =	sadd.s32 $0x60, s1;
	s31 =	simm.s32 $0x11170  }
0xd3: {  	[hbm4b:s30+s3] =	stream.linear.scatter [tilespmem:s31], [sflag:$0x3], $0x80, $0x38;
	[tilespmem:$0x15240] =	vst v63  }
0xd4: {  	s1 =	sadd.s32 $0x70, s1;
	s30 =	simm.s32 $0x111F8  }
0xd5: {  	[hbm4b:s1+s3] =	stream.linear.scatter [tilespmem:s30], [sflag:$0x3], $0x80, $0x38;
	[tilespmem:$0x15240] =	vst v63  }
0xd6: {  	s1 =	sadd.s32 s29, s7;
	s30 =	simm.s32 $0x11280  }
0xd7: {  	[hbm4b:s1+s3] =	stream.linear.scatter [tilespmem:s30], [sflag:$0x3], $0x80, $0x38;
	[tilespmem:$0x15240] =	vst v63  }
0xd8: {  	s31 =	simm.s32 $0x11308;
	s30 =	sadd.s32 $0x10, s1  }
0xd9: {  	[hbm4b:s30+s3] =	stream.linear.scatter [tilespmem:s31], [sflag:$0x3], $0x80, $0x38;
	[tilespmem:$0x15240] =	vst v63  }
0xda: {  	s30 =	sadd.s32 $0x20, s1;
	s31 =	simm.s32 $0x11390  }
0xdb: {  	[hbm4b:s30+s3] =	stream.linear.scatter [tilespmem:s31], [sflag:$0x3], $0x80, $0x38;
	[tilespmem:$0x15240] =	vst v63  }
0xdc: {  	s30 =	sadd.s32 $0x30, s1;
	s31 =	simm.s32 $0x11418  }
0xdd: {  	[hbm4b:s30+s3] =	stream.linear.scatter [tilespmem:s31], [sflag:$0x3], $0x80, $0x38;
	[tilespmem:$0x15240] =	vst v63  }
0xde: {  	s30 =	sadd.s32 $0x40, s1;
	s31 =	simm.s32 $0x114A0  }
0xdf: {  	[hbm4b:s30+s3] =	stream.linear.scatter [tilespmem:s31], [sflag:$0x3], $0x80, $0x38;
	[tilespmem:$0x15240] =	vst v63  }
0xe0: {  	s30 =	sadd.s32 $0x50, s1;
	s31 =	simm.s32 $0x11528  }
0xe1: {  	[hbm4b:s30+s3] =	stream.linear.scatter [tilespmem:s31], [sflag:$0x3], $0x80, $0x38;
	[tilespmem:$0x15240] =	vst v63  }
0xe2: {  	s30 =	sadd.s32 $0x60, s1;
	s31 =	simm.s32 $0x115B0  }
0xe3: {  	[hbm4b:s30+s3] =	stream.linear.scatter [tilespmem:s31], [sflag:$0x3], $0x80, $0x38;
	[tilespmem:$0x15240] =	vst v63  }
0xe4: {  	s1 =	sadd.s32 $0x70, s1;
	s30 =	simm.s32 $0x11638  }
0xe5: {  	[hbm4b:s1+s3] =	stream.linear.scatter [tilespmem:s30], [sflag:$0x3], $0x80, $0x38;
	[tilespmem:$0x15240] =	vst v63  }
0xe6: {  	s1 =	sadd.s32 s29, s8;
	s30 =	simm.s32 $0x116C0  }
0xe7: {  	[hbm4b:s1+s3] =	stream.linear.scatter [tilespmem:s30], [sflag:$0x3], $0x80, $0x38;
	[tilespmem:$0x15240] =	vst v63  }
0xe8: {  	s31 =	simm.s32 $0x11748;
	s30 =	sadd.s32 $0x10, s1  }
0xe9: {  	[hbm4b:s30+s3] =	stream.linear.scatter [tilespmem:s31], [sflag:$0x3], $0x80, $0x38;
	[tilespmem:$0x15240] =	vst v63  }
0xea: {  	s30 =	sadd.s32 $0x20, s1;
	s31 =	simm.s32 $0x117D0  }
0xeb: {  	[hbm4b:s30+s3] =	stream.linear.scatter [tilespmem:s31], [sflag:$0x3], $0x80, $0x38;
	[tilespmem:$0x15240] =	vst v63  }
0xec: {  	s30 =	sadd.s32 $0x30, s1;
	s31 =	simm.s32 $0x11858  }
0xed: {  	[hbm4b:s30+s3] =	stream.linear.scatter [tilespmem:s31], [sflag:$0x3], $0x80, $0x38;
	[tilespmem:$0x15240] =	vst v63  }
0xee: {  	s30 =	sadd.s32 $0x40, s1;
	s31 =	simm.s32 $0x118E0  }
0xef: {  	[hbm4b:s30+s3] =	stream.linear.scatter [tilespmem:s31], [sflag:$0x3], $0x80, $0x38;
	[tilespmem:$0x15240] =	vst v63  }
0xf0: {  	s30 =	sadd.s32 $0x50, s1;
	s31 =	simm.s32 $0x11968  }
0xf1: {  	[hbm4b:s30+s3] =	stream.linear.scatter [tilespmem:s31], [sflag:$0x3], $0x80, $0x38;
	[tilespmem:$0x15240] =	vst v63  }
0xf2: {  	s30 =	sadd.s32 $0x60, s1;
	s31 =	simm.s32 $0x119F0  }
0xf3: {  	[hbm4b:s30+s3] =	stream.linear.scatter [tilespmem:s31], [sflag:$0x3], $0x80, $0x38;
	[tilespmem:$0x15240] =	vst v63  }
0xf4: {  	s1 =	sadd.s32 $0x70, s1;
	s30 =	simm.s32 $0x11A78  }
0xf5: {  	[hbm4b:s1+s3] =	stream.linear.scatter [tilespmem:s30], [sflag:$0x3], $0x80, $0x38;
	[tilespmem:$0x15240] =	vst v63  }
0xf6: {  	s1 =	sadd.s32 s29, s9;
	s30 =	simm.s32 $0x11B00  }
0xf7: {  	[hbm4b:s1+s3] =	stream.linear.scatter [tilespmem:s30], [sflag:$0x3], $0x80, $0x38;
	[tilespmem:$0x15240] =	vst v63  }
0xf8: {  	s31 =	simm.s32 $0x11B88;
	s30 =	sadd.s32 $0x10, s1  }
0xf9: {  	[hbm4b:s30+s3] =	stream.linear.scatter [tilespmem:s31], [sflag:$0x3], $0x80, $0x38;
	[tilespmem:$0x15240] =	vst v63  }
0xfa: {  	s30 =	sadd.s32 $0x20, s1;
	s31 =	simm.s32 $0x11C10  }
0xfb: {  	[hbm4b:s30+s3] =	stream.linear.scatter [tilespmem:s31], [sflag:$0x3], $0x80, $0x38;
	[tilespmem:$0x15240] =	vst v63  }
0xfc: {  	s30 =	sadd.s32 $0x30, s1;
	s31 =	simm.s32 $0x11C98  }
0xfd: {  	[hbm4b:s30+s3] =	stream.linear.scatter [tilespmem:s31], [sflag:$0x3], $0x80, $0x38;
	[tilespmem:$0x15240] =	vst v63  }
0xfe: {  	s30 =	sadd.s32 $0x40, s1;
	s31 =	simm.s32 $0x11D20  }
0xff: {  	[hbm4b:s30+s3] =	stream.linear.scatter [tilespmem:s31], [sflag:$0x3], $0x80, $0x38;
	[tilespmem:$0x15240] =	vst v63  }
0x100: {  	s30 =	sadd.s32 $0x50, s1;
	s31 =	simm.s32 $0x11DA8  }
0x101: {  	[hbm4b:s30+s3] =	stream.linear.scatter [tilespmem:s31], [sflag:$0x3], $0x80, $0x38;
	[tilespmem:$0x15240] =	vst v63  }
0x102: {  	s30 =	sadd.s32 $0x60, s1;
	s31 =	simm.s32 $0x11E30  }
0x103: {  	[hbm4b:s30+s3] =	stream.linear.scatter [tilespmem:s31], [sflag:$0x3], $0x80, $0x38;
	[tilespmem:$0x15240] =	vst v63  }
0x104: {  	s1 =	sadd.s32 $0x70, s1;
	s30 =	simm.s32 $0x11EB8  }
0x105: {  	[hbm4b:s1+s3] =	stream.linear.scatter [tilespmem:s30], [sflag:$0x3], $0x80, $0x38;
	[tilespmem:$0x15240] =	vst v63  }
0x106: {  	s1 =	sadd.s32 s29, s10;
	s30 =	simm.s32 $0x11F40  }
0x107: {  	[hbm4b:s1+s3] =	stream.linear.scatter [tilespmem:s30], [sflag:$0x3], $0x80, $0x38;
	[tilespmem:$0x15240] =	vst v63  }
0x108: {  	s31 =	simm.s32 $0x11FC8;
	s30 =	sadd.s32 $0x10, s1  }
0x109: {  	[hbm4b:s30+s3] =	stream.linear.scatter [tilespmem:s31], [sflag:$0x3], $0x80, $0x38;
	[tilespmem:$0x15240] =	vst v63  }
0x10a: {  	s30 =	sadd.s32 $0x20, s1;
	s31 =	simm.s32 $0x12050  }
0x10b: {  	[hbm4b:s30+s3] =	stream.linear.scatter [tilespmem:s31], [sflag:$0x3], $0x80, $0x38;
	[tilespmem:$0x15240] =	vst v63  }
0x10c: {  	s30 =	sadd.s32 $0x30, s1;
	s31 =	simm.s32 $0x120D8  }
0x10d: {  	[hbm4b:s30+s3] =	stream.linear.scatter [tilespmem:s31], [sflag:$0x3], $0x80, $0x38;
	[tilespmem:$0x15240] =	vst v63  }
0x10e: {  	s30 =	sadd.s32 $0x40, s1;
	s31 =	simm.s32 $0x12160  }
0x10f: {  	[hbm4b:s30+s3] =	stream.linear.scatter [tilespmem:s31], [sflag:$0x3], $0x80, $0x38;
	[tilespmem:$0x15240] =	vst v63  }
0x110: {  	s30 =	sadd.s32 $0x50, s1;
	s31 =	simm.s32 $0x121E8  }
0x111: {  	[hbm4b:s30+s3] =	stream.linear.scatter [tilespmem:s31], [sflag:$0x3], $0x80, $0x38;
	[tilespmem:$0x15240] =	vst v63  }
0x112: {  	s30 =	sadd.s32 $0x60, s1;
	s31 =	simm.s32 $0x12270  }
0x113: {  	[hbm4b:s30+s3] =	stream.linear.scatter [tilespmem:s31], [sflag:$0x3], $0x80, $0x38;
	[tilespmem:$0x15240] =	vst v63  }
0x114: {  	s1 =	sadd.s32 $0x70, s1;
	s30 =	simm.s32 $0x122F8  }
0x115: {  	[hbm4b:s1+s3] =	stream.linear.scatter [tilespmem:s30], [sflag:$0x3], $0x80, $0x38;
	[tilespmem:$0x15240] =	vst v63  }
0x116: {  	s1 =	sadd.s32 s29, s11;
	s30 =	simm.s32 $0x12380  }
0x117: {  	[hbm4b:s1+s3] =	stream.linear.scatter [tilespmem:s30], [sflag:$0x3], $0x80, $0x38;
	[tilespmem:$0x15240] =	vst v63  }
0x118: {  	s31 =	simm.s32 $0x12408;
	s30 =	sadd.s32 $0x10, s1  }
0x119: {  	[hbm4b:s30+s3] =	stream.linear.scatter [tilespmem:s31], [sflag:$0x3], $0x80, $0x38;
	[tilespmem:$0x15240] =	vst v63  }
0x11a: {  	s30 =	sadd.s32 $0x20, s1;
	s31 =	simm.s32 $0x12490  }
0x11b: {  	[hbm4b:s30+s3] =	stream.linear.scatter [tilespmem:s31], [sflag:$0x3], $0x80, $0x38;
	[tilespmem:$0x15240] =	vst v63  }
0x11c: {  	s30 =	sadd.s32 $0x30, s1;
	s31 =	simm.s32 $0x12518  }
0x11d: {  	[hbm4b:s30+s3] =	stream.linear.scatter [tilespmem:s31], [sflag:$0x3], $0x80, $0x38;
	[tilespmem:$0x15240] =	vst v63  }
0x11e: {  	s30 =	sadd.s32 $0x40, s1;
	s31 =	simm.s32 $0x125A0  }
0x11f: {  	[hbm4b:s30+s3] =	stream.linear.scatter [tilespmem:s31], [sflag:$0x3], $0x80, $0x38;
	[tilespmem:$0x15240] =	vst v63  }
0x120: {  	s30 =	sadd.s32 $0x50, s1;
	s31 =	simm.s32 $0x12628  }
0x121: {  	[hbm4b:s30+s3] =	stream.linear.scatter [tilespmem:s31], [sflag:$0x3], $0x80, $0x38;
	[tilespmem:$0x15240] =	vst v63  }
0x122: {  	s30 =	sadd.s32 $0x60, s1;
	s31 =	simm.s32 $0x126B0  }
0x123: {  	[hbm4b:s30+s3] =	stream.linear.scatter [tilespmem:s31], [sflag:$0x3], $0x80, $0x38;
	[tilespmem:$0x15240] =	vst v63  }
0x124: {  	s1 =	sadd.s32 $0x70, s1;
	s30 =	simm.s32 $0x12738  }
0x125: {  	[hbm4b:s1+s3] =	stream.linear.scatter [tilespmem:s30], [sflag:$0x3], $0x80, $0x38;
	[tilespmem:$0x15240] =	vst v63  }
0x126: {  	s1 =	sadd.s32 s29, s12;
	s30 =	simm.s32 $0x127C0  }
0x127: {  	[hbm4b:s1+s3] =	stream.linear.scatter [tilespmem:s30], [sflag:$0x3], $0x80, $0x38;
	[tilespmem:$0x15240] =	vst v63  }
0x128: {  	s31 =	simm.s32 $0x12848;
	s30 =	sadd.s32 $0x10, s1  }
0x129: {  	[hbm4b:s30+s3] =	stream.linear.scatter [tilespmem:s31], [sflag:$0x3], $0x80, $0x38;
	[tilespmem:$0x15240] =	vst v63  }
0x12a: {  	s30 =	sadd.s32 $0x20, s1;
	s31 =	simm.s32 $0x128D0  }
0x12b: {  	[hbm4b:s30+s3] =	stream.linear.scatter [tilespmem:s31], [sflag:$0x3], $0x80, $0x38;
	[tilespmem:$0x15240] =	vst v63  }
0x12c: {  	s30 =	sadd.s32 $0x30, s1;
	s31 =	simm.s32 $0x12958  }
0x12d: {  	[hbm4b:s30+s3] =	stream.linear.scatter [tilespmem:s31], [sflag:$0x3], $0x80, $0x38;
	[tilespmem:$0x15240] =	vst v63  }
0x12e: {  	s30 =	sadd.s32 $0x40, s1;
	s31 =	simm.s32 $0x129E0  }
0x12f: {  	[hbm4b:s30+s3] =	stream.linear.scatter [tilespmem:s31], [sflag:$0x3], $0x80, $0x38;
	[tilespmem:$0x15240] =	vst v63  }
0x130: {  	s30 =	sadd.s32 $0x50, s1;
	s31 =	simm.s32 $0x12A68  }
0x131: {  	[hbm4b:s30+s3] =	stream.linear.scatter [tilespmem:s31], [sflag:$0x3], $0x80, $0x38;
	[tilespmem:$0x15240] =	vst v63  }
0x132: {  	s30 =	sadd.s32 $0x60, s1;
	s31 =	simm.s32 $0x12AF0  }
0x133: {  	[hbm4b:s30+s3] =	stream.linear.scatter [tilespmem:s31], [sflag:$0x3], $0x80, $0x38;
	[tilespmem:$0x15240] =	vst v63  }
0x134: {  	s1 =	sadd.s32 $0x70, s1;
	s30 =	simm.s32 $0x12B78  }
0x135: {  	[hbm4b:s1+s3] =	stream.linear.scatter [tilespmem:s30], [sflag:$0x3], $0x80, $0x38;
	[tilespmem:$0x15240] =	vst v63  }
0x136: {  	s1 =	sadd.s32 s29, s13;
	s29 =	simm.s32 $0x12C00  }
0x137: {  	[hbm4b:s1+s3] =	stream.linear.scatter [tilespmem:s29], [sflag:$0x3], $0x80, $0x38;
	[tilespmem:$0x15240] =	vst v63  }
0x138: {  	s30 =	simm.s32 $0x12C88;
	s29 =	sadd.s32 $0x10, s1  }
0x139: {  	[hbm4b:s29+s3] =	stream.linear.scatter [tilespmem:s30], [sflag:$0x3], $0x80, $0x38;
	[tilespmem:$0x15240] =	vst v63  }
0x13a: {  	s29 =	sadd.s32 $0x20, s1;
	s30 =	simm.s32 $0x12D10  }
0x13b: {  	[hbm4b:s29+s3] =	stream.linear.scatter [tilespmem:s30], [sflag:$0x3], $0x80, $0x38;
	[tilespmem:$0x15240] =	vst v63  }
0x13c: {  	s29 =	sadd.s32 $0x30, s1;
	s30 =	simm.s32 $0x12D98  }
0x13d: {  	[hbm4b:s29+s3] =	stream.linear.scatter [tilespmem:s30], [sflag:$0x3], $0x80, $0x38;
	[tilespmem:$0x15240] =	vst v63  }
0x13e: {  	s29 =	sadd.s32 $0x40, s1;
	s30 =	simm.s32 $0x12E20  }
0x13f: {  	[hbm4b:s29+s3] =	stream.linear.scatter [tilespmem:s30], [sflag:$0x3], $0x80, $0x38;
	[tilespmem:$0x15240] =	vst v63  }
0x140: {  	s29 =	sadd.s32 $0x50, s1;
	s30 =	simm.s32 $0x12EA8  }
0x141: {  	[hbm4b:s29+s3] =	stream.linear.scatter [tilespmem:s30], [sflag:$0x3], $0x80, $0x38;
	[tilespmem:$0x15240] =	vst v63  }
0x142: {  	s29 =	sadd.s32 $0x60, s1;
	s30 =	simm.s32 $0x12F30  }
0x143: {  	[hbm4b:s29+s3] =	stream.linear.scatter [tilespmem:s30], [sflag:$0x3], $0x80, $0x38;
	[tilespmem:$0x15240] =	vst v63  }
0x144: {  	p0 =	seq.s32 s26, $0x63;
	s1 =	sadd.s32 $0x70, s1;
	s29 =	simm.s32 $0x12FB8  }
0x145: {  	[hbm4b:s1+s3] =	stream.linear.scatter [tilespmem:s29], [sflag:$0x3], $0x80, $0x38;
	[tilespmem:$0x15240] =	vst v63  }
0x146: {  	s1 =	smul.u32 @!p0 $0x440, s26  }
0x147: {  	p1 =	seq.s32 @!p0 s26, $0x0;
	_ =	swait.ge [sflag:s14], $0x2000  }
0x148: {  	s30 =	simm.s32 @!p0 $0xCE40;
	[sflag:s14] =	ssyncset.done $0x0;
	s1 =	sshra.s32 @!p0 s1, $0x2  }
0x149: {  	s29 =	simm.s32 @!p0 $0x80;
	[sflag:s14] =	ssyncadd.s32 $0xFFFFE000;
	s1 =	sadd.s32 @!p0 $0x6510, s1  }
0x14a: {  	[tilespmem:s30], [sflag:$0x1] =	stream.indirect.gather @!p0 [hbm4b:s4+s29], $0x40, s1, s29, $0xb8;
	[tilespmem:$0x15240] =	vst v63  }
0x14b: {  	p0 =	por p0, !p1  }
0x14c: {  	_ =	swait.ge @p0 [sflag:s24], $0x400  }
0x14d: {  	[sflag:s24] =	ssyncset.done @p0 $0x0  }
0x14e: {  	[sflag:s24] =	ssyncadd.s32 @p0 $0xFFFFFC00  }
0x14f: {  	_ =	swait.ge @p0 [sflag:s24], $0x400  }
0x150: {  	[sflag:s24] =	ssyncset.done @p0 $0x0  }
0x151: {  	[sflag:s24] =	ssyncadd.s32 @p0 $0xFFFFFC00  }
0x152: {  	_ =	swait.ge @p0 [sflag:s24], $0x400  }
0x153: {  	[sflag:s24] =	ssyncset.done @p0 $0x0  }
0x154: {  	[sflag:s24] =	ssyncadd.s32 @p0 $0xFFFFFC00  }
0x155: {  	_ =	swait.ge @p0 [sflag:s24], $0x400  }
0x156: {  	[sflag:s24] =	ssyncset.done @p0 $0x0  }
0x157: {  	[sflag:s24] =	ssyncadd.s32 @p0 $0xFFFFFC00  }
0x158: {  	_ =	swait.ge @p0 [sflag:s24], $0x400  }
0x159: {  	[sflag:s24] =	ssyncset.done @p0 $0x0  }
0x15a: {  	[sflag:s24] =	ssyncadd.s32 @p0 $0xFFFFFC00  }
0x15b: {  	_ =	swait.ge @p0 [sflag:s24], $0x400  }
0x15c: {  	[sflag:s24] =	ssyncset.done @p0 $0x0  }
0x15d: {  	[sflag:s24] =	ssyncadd.s32 @p0 $0xFFFFFC00  }
0x15e: {  	_ =	swait.ge @p0 [sflag:s24], $0x400  }
0x15f: {  	[sflag:s24] =	ssyncset.done @p0 $0x0  }
0x160: {  	[sflag:s24] =	ssyncadd.s32 @p0 $0xFFFFFC00  }
0x161: {  	s1 =	simm.s32 $0x0;
	_ =	swait.ge @p0 [sflag:s24], $0x400  }
0x162: {  	v13 =	vmov s1;
	[sflag:s24] =	ssyncset.done @p0 $0x0  }
0x163: {  	s29 =	simm.s32 $0xEEB0;
	v13 =	vand.u32 $0x7E, v13;
	[sflag:s24] =	ssyncadd.s32 @p0 $0xFFFFFC00  }
0x164: {  	v15 =	vadd.s32 v0, v13;
	v14 =	vld [tilespmem:s29+$0xFFFFFF90];
	_ =	sdelay $0x4  }
0x165: {  	[tilespmem:v15+s15+$0x0] =	vst.idx.msk $0xffff, v14  }
0x166: {  	v15 =	vadd.s32 v1, v13;
	v14 =	vld [tilespmem:s29+$0xFFFFFFA0];
	_ =	sdelay $0x4  }
0x167: {  	[tilespmem:v15+s15+$0x0] =	vst.idx.msk $0xffff, v14  }
0x168: {  	v15 =	vadd.s32 v2, v13;
	v14 =	vld [tilespmem:s29+$0xFFFFFFB0];
	_ =	sdelay $0x4  }
0x169: {  	[tilespmem:v15+s15+$0x0] =	vst.idx.msk $0xffff, v14  }
0x16a: {  	v13 =	vadd.s32 v3, v13;
	v14 =	vld [tilespmem:s29+$0xFFFFFFC0];
	_ =	sdelay $0x2  }
0x16b: {  	s1 =	simm.s32 $0x1  }
0x16c: {  	v15 =	vmov s1  }
0x16d: {  	[tilespmem:v13+s15+$0x0] =	vst.idx.msk $0xffff, v14;
	v14 =	vand.u32 $0x7F, v15  }
0x16e: {  	v13 =	vld [tilespmem:s29+$0xFFFFFFD0];
	v15 =	vadd.s32 v0, v14;
	_ =	sdelay $0x4  }
0x16f: {  	[tilespmem:v15+s15+$0x0] =	vst.idx.msk $0xffff, v13  }
0x170: {  	v15 =	vadd.s32 v1, v14;
	v13 =	vld [tilespmem:s29+$0xFFFFFFE0];
	_ =	sdelay $0x4  }
0x171: {  	[tilespmem:v15+s15+$0x0] =	vst.idx.msk $0xffff, v13  }
0x172: {  	v15 =	vadd.s32 v2, v14;
	v13 =	vld [tilespmem:s29+$0xFFFFFFF0];
	_ =	sdelay $0x4  }
0x173: {  	[tilespmem:v15+s15+$0x0] =	vst.idx.msk $0xffff, v13  }
0x174: {  	v14 =	vadd.s32 v3, v14;
	v13 =	vld [tilespmem:s29+$0x0];
	_ =	sdelay $0x2  }
0x175: {  	s30 =	simm.s32 $0x2  }
0x176: {  	s31 =	simm.s32 $0x4;
	v15 =	vmov s30  }
.LBB2_7:
0x177: {  	p0 =	sne.s32 s31, $0x7E;
	v15 =	vand.u32 $0x7E, v15;
	[tilespmem:v14+s15+$0x0] =	vst.idx.msk $0xffff, v13;
	s29 =	sadd.s32 $0x80, s29  }
0x178: {  	v13 =	vld [tilespmem:s29+$0xFFFFFF90];
	v14 =	vadd.s32 v0, v15;
	_ =	sdelay $0x4  }
0x179: {  	[tilespmem:v14+s15+$0x0] =	vst.idx.msk $0xffff, v13  }
0x17a: {  	v14 =	vadd.s32 v1, v15;
	v13 =	vld [tilespmem:s29+$0xFFFFFFA0];
	_ =	sdelay $0x4  }
0x17b: {  	[tilespmem:v14+s15+$0x0] =	vst.idx.msk $0xffff, v13  }
0x17c: {  	v14 =	vadd.s32 v2, v15;
	v13 =	vld [tilespmem:s29+$0xFFFFFFB0];
	_ =	sdelay $0x4  }
0x17d: {  	[tilespmem:v14+s15+$0x0] =	vst.idx.msk $0xffff, v13  }
0x17e: {  	v14 =	vadd.s32 v3, v15;
	v13 =	vld [tilespmem:s29+$0xFFFFFFC0];
	_ =	sdelay $0x2  }
0x17f: {  	s1 =	sadd.s32 $0x1, s30;
	s30 =	smov.u32 s31  }
0x180: {  	v15 =	vmov s1  }
0x181: {  	[tilespmem:v14+s15+$0x0] =	vst.idx.msk $0xffff, v13;
	v14 =	vand.u32 $0x7F, v15  }
0x182: {  	v13 =	vld [tilespmem:s29+$0xFFFFFFD0];
	v15 =	vadd.s32 v0, v14;
	_ =	sdelay $0x4  }
0x183: {  	[tilespmem:v15+s15+$0x0] =	vst.idx.msk $0xffff, v13  }
0x184: {  	v15 =	vadd.s32 v1, v14;
	v13 =	vld [tilespmem:s29+$0xFFFFFFE0];
	_ =	sdelay $0x4  }
0x185: {  	[tilespmem:v15+s15+$0x0] =	vst.idx.msk $0xffff, v13  }
0x186: {  	v15 =	vadd.s32 v2, v14;
	v13 =	vld [tilespmem:s29+$0xFFFFFFF0];
	_ =	sdelay $0x4  }
0x187: {  	[tilespmem:v15+s15+$0x0] =	vst.idx.msk $0xffff, v13  }
.Ltmp2:
0x188: {  	v14 =	vadd.s32 v3, v14;
	v13 =	vld [tilespmem:s29+$0x0];
	(pc) =	sbr.rel @p0 .LBB2_7-.Ltmp2, $2  }
0x189: {  	_ =	sdelay $0x2  }
0x18a: {  	s31 =	sadd.s32 $0x2, s31;
	v15 =	vmov s30  }
0x18b: {  	_ =	sdelay $0x3  }
0x18c: {  	v15 =	vand.u32 $0x7E, v15;
	[tilespmem:v14+s15+$0x0] =	vst.idx.msk $0xffff, v13;
	s1 =	sadd.s32 $0x80, s29  }
0x18d: {  	v13 =	vld [tilespmem:s1+$0xFFFFFF90];
	v14 =	vadd.s32 v0, v15;
	_ =	sdelay $0x4  }
0x18e: {  	[tilespmem:v14+s15+$0x0] =	vst.idx.msk $0xffff, v13  }
0x18f: {  	v14 =	vadd.s32 v1, v15;
	v13 =	vld [tilespmem:s1+$0xFFFFFFA0];
	_ =	sdelay $0x4  }
0x190: {  	[tilespmem:v14+s15+$0x0] =	vst.idx.msk $0xffff, v13  }
0x191: {  	v14 =	vadd.s32 v2, v15;
	v13 =	vld [tilespmem:s1+$0xFFFFFFB0];
	_ =	sdelay $0x4  }
0x192: {  	[tilespmem:v14+s15+$0x0] =	vst.idx.msk $0xffff, v13  }
0x193: {  	v14 =	vadd.s32 v3, v15;
	v13 =	vld [tilespmem:s1+$0xFFFFFFC0];
	_ =	sdelay $0x2  }
0x194: {  	s31 =	sadd.s32 $0x1, s30  }
0x195: {  	v15 =	vmov s31  }
0x196: {  	[tilespmem:v14+s15+$0x0] =	vst.idx.msk $0xffff, v13;
	v13 =	vand.u32 $0x7F, v15  }
0x197: {  	v14 =	vld [tilespmem:s1+$0xFFFFFFD0];
	v15 =	vadd.s32 v0, v13;
	_ =	sdelay $0x4  }
0x198: {  	[tilespmem:v15+s15+$0x0] =	vst.idx.msk $0xffff, v14  }
0x199: {  	v15 =	vadd.s32 v1, v13;
	v14 =	vld [tilespmem:s1+$0xFFFFFFE0];
	_ =	sdelay $0x4  }
0x19a: {  	[tilespmem:v15+s15+$0x0] =	vst.idx.msk $0xffff, v14  }
0x19b: {  	v15 =	vadd.s32 v2, v13;
	v14 =	vld [tilespmem:s1+$0xFFFFFFF0];
	_ =	sdelay $0x4  }
0x19c: {  	[tilespmem:v15+s15+$0x0] =	vst.idx.msk $0xffff, v14  }
0x19d: {  	v13 =	vadd.s32 v3, v13;
	v14 =	vld [tilespmem:s1+$0x0];
	_ =	sdelay $0x2  }
0x19e: {  	s30 =	sshll.u32 s28, $0xF  }
0x19f: {  	s28 =	sor.u32 s6, s30  }
0x1a0: {  	s1 =	sadd.s32 s2, s28;
	[tilespmem:v13+s15+$0x0] =	vst.idx.msk $0xffff, v14  }
0x1a1: {  	[hbm4b:s1+s3] =	stream.linear.scatter [tilespmem:s15], [sflag:$0x4], $0x80, $0x38;
	[tilespmem:$0x15240] =	vst v63  }
0x1a2: {  	s31 =	simm.s32 $0x130C8;
	s29 =	sadd.s32 $0x10, s1  }
0x1a3: {  	[hbm4b:s29+s3] =	stream.linear.scatter [tilespmem:s31], [sflag:$0x4], $0x80, $0x38;
	[tilespmem:$0x15240] =	vst v63  }
0x1a4: {  	s29 =	sadd.s32 $0x20, s1;
	s31 =	simm.s32 $0x13150  }
0x1a5: {  	[hbm4b:s29+s3] =	stream.linear.scatter [tilespmem:s31], [sflag:$0x4], $0x80, $0x38;
	[tilespmem:$0x15240] =	vst v63  }
0x1a6: {  	s29 =	sadd.s32 $0x30, s1;
	s31 =	simm.s32 $0x131D8  }
0x1a7: {  	[hbm4b:s29+s3] =	stream.linear.scatter [tilespmem:s31], [sflag:$0x4], $0x80, $0x38;
	[tilespmem:$0x15240] =	vst v63  }
0x1a8: {  	s29 =	sadd.s32 $0x40, s1;
	s31 =	simm.s32 $0x13260  }
0x1a9: {  	[hbm4b:s29+s3] =	stream.linear.scatter [tilespmem:s31], [sflag:$0x4], $0x80, $0x38;
	[tilespmem:$0x15240] =	vst v63  }
0x1aa: {  	s29 =	sadd.s32 $0x50, s1;
	s31 =	simm.s32 $0x132E8  }
0x1ab: {  	[hbm4b:s29+s3] =	stream.linear.scatter [tilespmem:s31], [sflag:$0x4], $0x80, $0x38;
	[tilespmem:$0x15240] =	vst v63  }
0x1ac: {  	s29 =	sadd.s32 $0x60, s1;
	s31 =	simm.s32 $0x13370  }
0x1ad: {  	[hbm4b:s29+s3] =	stream.linear.scatter [tilespmem:s31], [sflag:$0x4], $0x80, $0x38;
	[tilespmem:$0x15240] =	vst v63  }
0x1ae: {  	s1 =	sadd.s32 $0x70, s1;
	s31 =	simm.s32 $0x133F8  }
0x1af: {  	[hbm4b:s1+s3] =	stream.linear.scatter [tilespmem:s31], [sflag:$0x4], $0x80, $0x38;
	[tilespmem:$0x15240] =	vst v63  }
0x1b0: {  	s30 =	simm.s32 $0x13480;
	s1 =	sadd.s32 s28, s7  }
0x1b1: {  	[hbm4b:s1+s3] =	stream.linear.scatter [tilespmem:s30], [sflag:$0x4], $0x80, $0x38;
	[tilespmem:$0x15240] =	vst v63  }
0x1b2: {  	s31 =	simm.s32 $0x13508;
	s29 =	sadd.s32 $0x10, s1  }
0x1b3: {  	[hbm4b:s29+s3] =	stream.linear.scatter [tilespmem:s31], [sflag:$0x4], $0x80, $0x38;
	[tilespmem:$0x15240] =	vst v63  }
0x1b4: {  	s29 =	sadd.s32 $0x20, s1;
	s31 =	simm.s32 $0x13590  }
0x1b5: {  	[hbm4b:s29+s3] =	stream.linear.scatter [tilespmem:s31], [sflag:$0x4], $0x80, $0x38;
	[tilespmem:$0x15240] =	vst v63  }
0x1b6: {  	s29 =	sadd.s32 $0x30, s1;
	s31 =	simm.s32 $0x13618  }
0x1b7: {  	[hbm4b:s29+s3] =	stream.linear.scatter [tilespmem:s31], [sflag:$0x4], $0x80, $0x38;
	[tilespmem:$0x15240] =	vst v63  }
0x1b8: {  	s29 =	sadd.s32 $0x40, s1;
	s31 =	simm.s32 $0x136A0  }
0x1b9: {  	[hbm4b:s29+s3] =	stream.linear.scatter [tilespmem:s31], [sflag:$0x4], $0x80, $0x38;
	[tilespmem:$0x15240] =	vst v63  }
0x1ba: {  	s29 =	sadd.s32 $0x50, s1;
	s31 =	simm.s32 $0x13728  }
0x1bb: {  	[hbm4b:s29+s3] =	stream.linear.scatter [tilespmem:s31], [sflag:$0x4], $0x80, $0x38;
	[tilespmem:$0x15240] =	vst v63  }
0x1bc: {  	s29 =	sadd.s32 $0x60, s1;
	s31 =	simm.s32 $0x137B0  }
0x1bd: {  	[hbm4b:s29+s3] =	stream.linear.scatter [tilespmem:s31], [sflag:$0x4], $0x80, $0x38;
	[tilespmem:$0x15240] =	vst v63  }
0x1be: {  	s1 =	sadd.s32 $0x70, s1;
	s31 =	simm.s32 $0x13838  }
0x1bf: {  	[hbm4b:s1+s3] =	stream.linear.scatter [tilespmem:s31], [sflag:$0x4], $0x80, $0x38;
	[tilespmem:$0x15240] =	vst v63  }
0x1c0: {  	s30 =	simm.s32 $0x138C0;
	s1 =	sadd.s32 s28, s8  }
0x1c1: {  	[hbm4b:s1+s3] =	stream.linear.scatter [tilespmem:s30], [sflag:$0x4], $0x80, $0x38;
	[tilespmem:$0x15240] =	vst v63  }
0x1c2: {  	s31 =	simm.s32 $0x13948;
	s29 =	sadd.s32 $0x10, s1  }
0x1c3: {  	[hbm4b:s29+s3] =	stream.linear.scatter [tilespmem:s31], [sflag:$0x4], $0x80, $0x38;
	[tilespmem:$0x15240] =	vst v63  }
0x1c4: {  	s29 =	sadd.s32 $0x20, s1;
	s31 =	simm.s32 $0x139D0  }
0x1c5: {  	[hbm4b:s29+s3] =	stream.linear.scatter [tilespmem:s31], [sflag:$0x4], $0x80, $0x38;
	[tilespmem:$0x15240] =	vst v63  }
0x1c6: {  	s29 =	sadd.s32 $0x30, s1;
	s31 =	simm.s32 $0x13A58  }
0x1c7: {  	[hbm4b:s29+s3] =	stream.linear.scatter [tilespmem:s31], [sflag:$0x4], $0x80, $0x38;
	[tilespmem:$0x15240] =	vst v63  }
0x1c8: {  	s29 =	sadd.s32 $0x40, s1;
	s31 =	simm.s32 $0x13AE0  }
0x1c9: {  	[hbm4b:s29+s3] =	stream.linear.scatter [tilespmem:s31], [sflag:$0x4], $0x80, $0x38;
	[tilespmem:$0x15240] =	vst v63  }
0x1ca: {  	s29 =	sadd.s32 $0x50, s1;
	s31 =	simm.s32 $0x13B68  }
0x1cb: {  	[hbm4b:s29+s3] =	stream.linear.scatter [tilespmem:s31], [sflag:$0x4], $0x80, $0x38;
	[tilespmem:$0x15240] =	vst v63  }
0x1cc: {  	s29 =	sadd.s32 $0x60, s1;
	s31 =	simm.s32 $0x13BF0  }
0x1cd: {  	[hbm4b:s29+s3] =	stream.linear.scatter [tilespmem:s31], [sflag:$0x4], $0x80, $0x38;
	[tilespmem:$0x15240] =	vst v63  }
0x1ce: {  	s1 =	sadd.s32 $0x70, s1;
	s31 =	simm.s32 $0x13C78  }
0x1cf: {  	[hbm4b:s1+s3] =	stream.linear.scatter [tilespmem:s31], [sflag:$0x4], $0x80, $0x38;
	[tilespmem:$0x15240] =	vst v63  }
0x1d0: {  	s30 =	simm.s32 $0x13D00;
	s1 =	sadd.s32 s28, s9  }
0x1d1: {  	[hbm4b:s1+s3] =	stream.linear.scatter [tilespmem:s30], [sflag:$0x4], $0x80, $0x38;
	[tilespmem:$0x15240] =	vst v63  }
0x1d2: {  	s31 =	simm.s32 $0x13D88;
	s29 =	sadd.s32 $0x10, s1  }
0x1d3: {  	[hbm4b:s29+s3] =	stream.linear.scatter [tilespmem:s31], [sflag:$0x4], $0x80, $0x38;
	[tilespmem:$0x15240] =	vst v63  }
0x1d4: {  	s29 =	sadd.s32 $0x20, s1;
	s31 =	simm.s32 $0x13E10  }
0x1d5: {  	[hbm4b:s29+s3] =	stream.linear.scatter [tilespmem:s31], [sflag:$0x4], $0x80, $0x38;
	[tilespmem:$0x15240] =	vst v63  }
0x1d6: {  	s29 =	sadd.s32 $0x30, s1;
	s31 =	simm.s32 $0x13E98  }
0x1d7: {  	[hbm4b:s29+s3] =	stream.linear.scatter [tilespmem:s31], [sflag:$0x4], $0x80, $0x38;
	[tilespmem:$0x15240] =	vst v63  }
0x1d8: {  	s29 =	sadd.s32 $0x40, s1;
	s31 =	simm.s32 $0x13F20  }
0x1d9: {  	[hbm4b:s29+s3] =	stream.linear.scatter [tilespmem:s31], [sflag:$0x4], $0x80, $0x38;
	[tilespmem:$0x15240] =	vst v63  }
0x1da: {  	s29 =	sadd.s32 $0x50, s1;
	s31 =	simm.s32 $0x13FA8  }
0x1db: {  	[hbm4b:s29+s3] =	stream.linear.scatter [tilespmem:s31], [sflag:$0x4], $0x80, $0x38;
	[tilespmem:$0x15240] =	vst v63  }
0x1dc: {  	s29 =	sadd.s32 $0x60, s1;
	s31 =	simm.s32 $0x14030  }
0x1dd: {  	[hbm4b:s29+s3] =	stream.linear.scatter [tilespmem:s31], [sflag:$0x4], $0x80, $0x38;
	[tilespmem:$0x15240] =	vst v63  }
0x1de: {  	s1 =	sadd.s32 $0x70, s1;
	s31 =	simm.s32 $0x140B8  }
0x1df: {  	[hbm4b:s1+s3] =	stream.linear.scatter [tilespmem:s31], [sflag:$0x4], $0x80, $0x38;
	[tilespmem:$0x15240] =	vst v63  }
0x1e0: {  	s30 =	simm.s32 $0x14140;
	s1 =	sadd.s32 s28, s10  }
0x1e1: {  	[hbm4b:s1+s3] =	stream.linear.scatter [tilespmem:s30], [sflag:$0x4], $0x80, $0x38;
	[tilespmem:$0x15240] =	vst v63  }
0x1e2: {  	s31 =	simm.s32 $0x141C8;
	s29 =	sadd.s32 $0x10, s1  }
0x1e3: {  	[hbm4b:s29+s3] =	stream.linear.scatter [tilespmem:s31], [sflag:$0x4], $0x80, $0x38;
	[tilespmem:$0x15240] =	vst v63  }
0x1e4: {  	s29 =	sadd.s32 $0x20, s1;
	s31 =	simm.s32 $0x14250  }
0x1e5: {  	[hbm4b:s29+s3] =	stream.linear.scatter [tilespmem:s31], [sflag:$0x4], $0x80, $0x38;
	[tilespmem:$0x15240] =	vst v63  }
0x1e6: {  	s29 =	sadd.s32 $0x30, s1;
	s31 =	simm.s32 $0x142D8  }
0x1e7: {  	[hbm4b:s29+s3] =	stream.linear.scatter [tilespmem:s31], [sflag:$0x4], $0x80, $0x38;
	[tilespmem:$0x15240] =	vst v63  }
0x1e8: {  	s29 =	sadd.s32 $0x40, s1;
	s31 =	simm.s32 $0x14360  }
0x1e9: {  	[hbm4b:s29+s3] =	stream.linear.scatter [tilespmem:s31], [sflag:$0x4], $0x80, $0x38;
	[tilespmem:$0x15240] =	vst v63  }
0x1ea: {  	s29 =	sadd.s32 $0x50, s1;
	s31 =	simm.s32 $0x143E8  }
0x1eb: {  	[hbm4b:s29+s3] =	stream.linear.scatter [tilespmem:s31], [sflag:$0x4], $0x80, $0x38;
	[tilespmem:$0x15240] =	vst v63  }
0x1ec: {  	s29 =	sadd.s32 $0x60, s1;
	s31 =	simm.s32 $0x14470  }
0x1ed: {  	[hbm4b:s29+s3] =	stream.linear.scatter [tilespmem:s31], [sflag:$0x4], $0x80, $0x38;
	[tilespmem:$0x15240] =	vst v63  }
0x1ee: {  	s1 =	sadd.s32 $0x70, s1;
	s31 =	simm.s32 $0x144F8  }
0x1ef: {  	[hbm4b:s1+s3] =	stream.linear.scatter [tilespmem:s31], [sflag:$0x4], $0x80, $0x38;
	[tilespmem:$0x15240] =	vst v63  }
0x1f0: {  	s30 =	simm.s32 $0x14580;
	s1 =	sadd.s32 s28, s11  }
0x1f1: {  	[hbm4b:s1+s3] =	stream.linear.scatter [tilespmem:s30], [sflag:$0x4], $0x80, $0x38;
	[tilespmem:$0x15240] =	vst v63  }
0x1f2: {  	s31 =	simm.s32 $0x14608;
	s29 =	sadd.s32 $0x10, s1  }
0x1f3: {  	[hbm4b:s29+s3] =	stream.linear.scatter [tilespmem:s31], [sflag:$0x4], $0x80, $0x38;
	[tilespmem:$0x15240] =	vst v63  }
0x1f4: {  	s29 =	sadd.s32 $0x20, s1;
	s31 =	simm.s32 $0x14690  }
0x1f5: {  	[hbm4b:s29+s3] =	stream.linear.scatter [tilespmem:s31], [sflag:$0x4], $0x80, $0x38;
	[tilespmem:$0x15240] =	vst v63  }
0x1f6: {  	s29 =	sadd.s32 $0x30, s1;
	s31 =	simm.s32 $0x14718  }
0x1f7: {  	[hbm4b:s29+s3] =	stream.linear.scatter [tilespmem:s31], [sflag:$0x4], $0x80, $0x38;
	[tilespmem:$0x15240] =	vst v63  }
0x1f8: {  	s29 =	sadd.s32 $0x40, s1;
	s31 =	simm.s32 $0x147A0  }
0x1f9: {  	[hbm4b:s29+s3] =	stream.linear.scatter [tilespmem:s31], [sflag:$0x4], $0x80, $0x38;
	[tilespmem:$0x15240] =	vst v63  }
0x1fa: {  	s29 =	sadd.s32 $0x50, s1;
	s31 =	simm.s32 $0x14828  }
0x1fb: {  	[hbm4b:s29+s3] =	stream.linear.scatter [tilespmem:s31], [sflag:$0x4], $0x80, $0x38;
	[tilespmem:$0x15240] =	vst v63  }
0x1fc: {  	s29 =	sadd.s32 $0x60, s1;
	s31 =	simm.s32 $0x148B0  }
0x1fd: {  	[hbm4b:s29+s3] =	stream.linear.scatter [tilespmem:s31], [sflag:$0x4], $0x80, $0x38;
	[tilespmem:$0x15240] =	vst v63  }
0x1fe: {  	s1 =	sadd.s32 $0x70, s1;
	s31 =	simm.s32 $0x14938  }
0x1ff: {  	[hbm4b:s1+s3] =	stream.linear.scatter [tilespmem:s31], [sflag:$0x4], $0x80, $0x38;
	[tilespmem:$0x15240] =	vst v63  }
0x200: {  	s30 =	simm.s32 $0x149C0;
	s1 =	sadd.s32 s28, s12  }
0x201: {  	[hbm4b:s1+s3] =	stream.linear.scatter [tilespmem:s30], [sflag:$0x4], $0x80, $0x38;
	[tilespmem:$0x15240] =	vst v63  }
0x202: {  	s31 =	simm.s32 $0x14A48;
	s29 =	sadd.s32 $0x10, s1  }
0x203: {  	[hbm4b:s29+s3] =	stream.linear.scatter [tilespmem:s31], [sflag:$0x4], $0x80, $0x38;
	[tilespmem:$0x15240] =	vst v63  }
0x204: {  	s29 =	sadd.s32 $0x20, s1;
	s31 =	simm.s32 $0x14AD0  }
0x205: {  	[hbm4b:s29+s3] =	stream.linear.scatter [tilespmem:s31], [sflag:$0x4], $0x80, $0x38;
	[tilespmem:$0x15240] =	vst v63  }
0x206: {  	s29 =	sadd.s32 $0x30, s1;
	s31 =	simm.s32 $0x14B58  }
0x207: {  	[hbm4b:s29+s3] =	stream.linear.scatter [tilespmem:s31], [sflag:$0x4], $0x80, $0x38;
	[tilespmem:$0x15240] =	vst v63  }
0x208: {  	s29 =	sadd.s32 $0x40, s1;
	s31 =	simm.s32 $0x14BE0  }
0x209: {  	[hbm4b:s29+s3] =	stream.linear.scatter [tilespmem:s31], [sflag:$0x4], $0x80, $0x38;
	[tilespmem:$0x15240] =	vst v63  }
0x20a: {  	s29 =	sadd.s32 $0x50, s1;
	s31 =	simm.s32 $0x14C68  }
0x20b: {  	[hbm4b:s29+s3] =	stream.linear.scatter [tilespmem:s31], [sflag:$0x4], $0x80, $0x38;
	[tilespmem:$0x15240] =	vst v63  }
0x20c: {  	s29 =	sadd.s32 $0x60, s1;
	s31 =	simm.s32 $0x14CF0  }
0x20d: {  	[hbm4b:s29+s3] =	stream.linear.scatter [tilespmem:s31], [sflag:$0x4], $0x80, $0x38;
	[tilespmem:$0x15240] =	vst v63  }
0x20e: {  	s30 =	simm.s32 $0x14D78;
	s1 =	sadd.s32 $0x70, s1  }
0x20f: {  	[hbm4b:s1+s3] =	stream.linear.scatter [tilespmem:s30], [sflag:$0x4], $0x80, $0x38;
	[tilespmem:$0x15240] =	vst v63  }
0x210: {  	s31 =	simm.s32 $0x14E00;
	s1 =	sadd.s32 s28, s13  }
0x211: {  	[hbm4b:s1+s3] =	stream.linear.scatter [tilespmem:s31], [sflag:$0x4], $0x80, $0x38;
	[tilespmem:$0x15240] =	vst v63  }
0x212: {  	s29 =	sadd.s32 $0x10, s1  }
0x213: {  	[hbm4b:s29+s3] =	stream.linear.scatter [tilespmem:s0], [sflag:$0x4], $0x80, $0x38;
	[tilespmem:$0x15240] =	vst v63  }
0x214: {  	s30 =	sadd.s32 $0x20, s1  }
0x215: {  	[hbm4b:s30+s3] =	stream.linear.scatter [tilespmem:s18], [sflag:$0x4], $0x80, $0x38;
	[tilespmem:$0x15240] =	vst v63  }
0x216: {  	s31 =	sadd.s32 $0x30, s1  }
0x217: {  	[hbm4b:s31+s3] =	stream.linear.scatter [tilespmem:s17], [sflag:$0x4], $0x80, $0x38;
	[tilespmem:$0x15240] =	vst v63  }
0x218: {  	s26 =	sadd.s32 $0x1, s26;
	s29 =	sadd.s32 $0x40, s1  }
0x219: {  	[hbm4b:s29+s3] =	stream.linear.scatter [tilespmem:s5], [sflag:$0x4], $0x80, $0x38;
	[tilespmem:$0x15240] =	vst v63  }
0x21a: {  	p0 =	sne.s32 s26, $0x64;
	s30 =	sadd.s32 $0x50, s1  }
0x21b: {  	[hbm4b:s30+s3] =	stream.linear.scatter [tilespmem:s20], [sflag:$0x4], $0x80, $0x38;
	[tilespmem:$0x15240] =	vst v63  }
.Ltmp3:
0x21c: {  	_ = 	snop;
	(pc) =	sbr.rel @p0 .LBB2_4-.Ltmp3, $4  }
0x21d: {  	s31 =	sadd.s32 $0x60, s1  }
0x21e: {  	[hbm4b:s31+s3] =	stream.linear.scatter [tilespmem:s22], [sflag:$0x4], $0x80, $0x38;
	[tilespmem:$0x15240] =	vst v63  }
0x21f: {  	s1 =	sadd.s32 $0x70, s1  }
0x220: {  	[hbm4b:s1+s3] =	stream.linear.scatter [tilespmem:s23], [sflag:$0x4], $0x80, $0x38;
	[tilespmem:$0x15240] =	vst v63  }
0x221: {  	s1 =	simm.s32 $0x3  }
0x222: {  	_ =	swait.ge [sflag:s1], $0x400  }
0x223: {  	[sflag:s1] =	ssyncset.done $0x0  }
0x224: {  	[sflag:s1] =	ssyncadd.s32 $0xFFFFFC00  }
0x225: {  	_ =	swait.ge [sflag:s1], $0x400  }
0x226: {  	[sflag:s1] =	ssyncset.done $0x0  }
0x227: {  	[sflag:s1] =	ssyncadd.s32 $0xFFFFFC00  }
0x228: {  	_ =	swait.ge [sflag:s1], $0x400  }
0x229: {  	[sflag:s1] =	ssyncset.done $0x0  }
0x22a: {  	[sflag:s1] =	ssyncadd.s32 $0xFFFFFC00  }
0x22b: {  	_ =	swait.ge [sflag:s1], $0x400  }
0x22c: {  	[sflag:s1] =	ssyncset.done $0x0  }
0x22d: {  	[sflag:s1] =	ssyncadd.s32 $0xFFFFFC00  }
0x22e: {  	_ =	swait.ge [sflag:s1], $0x400  }
0x22f: {  	[sflag:s1] =	ssyncset.done $0x0  }
0x230: {  	[sflag:s1] =	ssyncadd.s32 $0xFFFFFC00  }
0x231: {  	_ =	swait.ge [sflag:s1], $0x400  }
0x232: {  	[sflag:s1] =	ssyncset.done $0x0  }
0x233: {  	[sflag:s1] =	ssyncadd.s32 $0xFFFFFC00  }
0x234: {  	_ =	swait.ge [sflag:s1], $0x400  }
0x235: {  	[sflag:s1] =	ssyncset.done $0x0  }
0x236: {  	[sflag:s1] =	ssyncadd.s32 $0xFFFFFC00  }
0x237: {  	_ =	swait.ge [sflag:s1], $0x400  }
0x238: {  	[sflag:s1] =	ssyncset.done $0x0  }
0x239: {  	[sflag:s1] =	ssyncadd.s32 $0xFFFFFC00  }
0x23a: {  	_ =	swait.ge [sflag:s24], $0x400  }
0x23b: {  	[sflag:s24] =	ssyncset.done $0x0  }
0x23c: {  	[sflag:s24] =	ssyncadd.s32 $0xFFFFFC00  }
0x23d: {  	_ =	swait.ge [sflag:s24], $0x400  }
0x23e: {  	[sflag:s24] =	ssyncset.done $0x0  }
0x23f: {  	[sflag:s24] =	ssyncadd.s32 $0xFFFFFC00  }
0x240: {  	_ =	swait.ge [sflag:s24], $0x400  }
0x241: {  	[sflag:s24] =	ssyncset.done $0x0  }
0x242: {  	[sflag:s24] =	ssyncadd.s32 $0xFFFFFC00  }
0x243: {  	_ =	swait.ge [sflag:s24], $0x400  }
0x244: {  	[sflag:s24] =	ssyncset.done $0x0  }
0x245: {  	[sflag:s24] =	ssyncadd.s32 $0xFFFFFC00  }
0x246: {  	_ =	swait.ge [sflag:s24], $0x400  }
0x247: {  	[sflag:s24] =	ssyncset.done $0x0  }
0x248: {  	[sflag:s24] =	ssyncadd.s32 $0xFFFFFC00  }
0x249: {  	_ =	swait.ge [sflag:s24], $0x400  }
0x24a: {  	[sflag:s24] =	ssyncset.done $0x0  }
0x24b: {  	[sflag:s24] =	ssyncadd.s32 $0xFFFFFC00  }
0x24c: {  	_ =	swait.ge [sflag:s24], $0x400  }
0x24d: {  	[sflag:s24] =	ssyncset.done $0x0  }
0x24e: {  	[sflag:s24] =	ssyncadd.s32 $0xFFFFFC00  }
0x24f: {  	_ =	swait.ge [sflag:s24], $0x400  }
0x250: {  	s25 =	rddreg [dreg:$0x5]  }
0x251: {  	s31 =	rddreg [dreg:$0x4];
	s25 =	sadd.s32 $0x1, s25  }
0x252: {  	p0 =	sne.s32 s25, s31  }
.Ltmp4:
0x253: {  	_ = 	snop;
	(pc) =	sbr.rel @p0 .LBB2_1-.Ltmp4, $3  }
0x254: {  	_ =	sdelay $0x1  }
0x255: {  	[sflag:s24] =	ssyncset.done $0x0  }
0x256: {  	[sflag:s24] =	ssyncadd.s32 $0xFFFFFC00  }
0x257: {  	_ =	sfence.sel $0x180000  }
0x258: {  	[bflag:$0x0] =	sbarrier.arrive $0xFFFF  }
0x259: {  	_ =	strace $0x90000047  }
0x25a: {  	s0 =	stileid.u32;
	[bflag:$0x2] =	sbarrier.arrive $0xFFFF  }
0x25b: {  	p0 =	sne.s32 s0, $0x0;
	s0 =	rddreg [dreg:$0x2]  }
0x25c: {  	s0 =	sadd.s32 @!p0 $0x100000, s0  }
0x25d: {  	[sflag:s0] =	ssyncadd.tile.s32 @!p0 $0x1;
	_ =	shalt  }
.Lfunc_end2:
_tile_overlayer_lowered:
.L_overlay_start_2:
0x25e: {  	(tag) =	ssettag $0x2  }
0x25f: {  	s0 =	rddreg [dreg:$0x0];
	s2 =	stileid.u32  }
0x260: {  	s1 =	rddreg [dreg:$0x1];
	p0 =	sne.s32 s2, $0x0  }
0x261: {  	s3 =	rddreg [dreg:$0x2];
	[bflag:$0x3] =	sbarrier.arrive $0xFFFF;
	s2 =	simm.s32 @!p0 $0x1C05  }
0x262: {  	[timem:s3], [sflag:s2] =	dma.local @!p0 [hbm:s0], s1  }
0x263: {  	s0 =	simm.s32 @!p0 $0x5  }
0x264: {  	_ =	swait.ge @!p0 [sflag:s0], s1  }
0x265: {  	s1 =	ssub.s32 @!p0 $0x0, s1;
	[sflag:s0] =	ssyncset.done @!p0 $0x0  }
0x266: {  	[sflag:s0] =	ssyncadd.s32 @!p0 s1  }
0x267: {  	[bflag:$0x3] =	sbarrier.arrive $0xFFFF  }
0x268: {  	_ =	shalt  }

</sc_bundles>
